<compile_context>
chip_gen: v7x
topology: tpu7x:2x2x1
jax: 0.10.2.dev20260603
libtpu: 0.0.44.dev20260713+nightly
codegen_flags: <defaults>
</compile_context>

<pallas_src>
import functools
import jax
import jax.numpy as jnp
from jax import lax
from jax.experimental import pallas as pl
from jax.experimental.pallas import tpu as pltpu
from jax.experimental.pallas import tpu_sc as plsc

ALPHA = 0.2
GAMMA = 0.2
THETA = 0.1
LAMDA = 0.1
N_GROUPS = 10
N_GPB = 8

ROWS = 16384
CLASSES = 1000
SLOT = ROWS // N_GPB
SC_PER_SLOT = 1024
TC_PER_SLOT = SLOT - SC_PER_SLOT
SC_ROWS = N_GPB * SC_PER_SLOT

RB = 512
TPB = TC_PER_SLOT // RB
GTC = N_GPB * TPB
INV_BPG = 1.0 / SLOT

NW = 32
PW = SC_ROWS // NW
PPS = SC_PER_SLOT // PW
CH = 32
NCH = PW // CH



def _tc_kernel(logits_ref, targets_ref, acc_ref):
    i = pl.program_id(0)

    @pl.when(i == 0)
    def _init():
        for k in range(N_GPB):
            acc_ref[k] = 0.0

    x = logits_ref[...]
    t = targets_ref[0, 0, :]
    m = jnp.max(x, axis=1)
    e = jnp.exp(x - m[:, None])
    s = jnp.sum(e, axis=1)
    lse = jnp.log(s) + m
    col = jax.lax.broadcasted_iota(jnp.int32, x.shape, 1)
    tgt = jnp.sum(jnp.where(col == t[:, None], x, 0.0), axis=1)
    acc_ref[i // TPB] += jnp.sum(lse - tgt)



def _sc_body(logits_hbm, targets_hbm, s_out, xt_out,
             buf, t_buf, s_buf, stage):
    nc = 2
    wid = lax.axis_index("s") * nc + lax.axis_index("c")
    slot = wid // PPS
    part = wid % PPS
    row0 = slot * SLOT + TC_PER_SLOT + part * PW
    out0 = slot * SC_PER_SLOT + part * PW

    lane = lax.iota(jnp.int32, 16)
    zero16 = jnp.zeros((16,), jnp.float32)
    tail_mask = lane >= 8

    def chunk_body(c, xt_sum):
        r0 = row0 + c * CH
        pltpu.sync_copy(logits_hbm.at[pl.ds(r0, CH), :], buf)
        pltpu.sync_copy(targets_hbm.at[pl.ds(r0, CH)], t_buf.at[pl.ds(0, CH)])

        def row_body(r, xt_s):
            def col_body(j, accs):
                a0, a1 = accs
                a0 = a0 + jnp.exp(buf[r, pl.ds(j * 32, 16)])
                a1 = a1 + jnp.exp(buf[r, pl.ds(j * 32 + 16, 16)])
                return a0, a1

            a0, a1 = lax.fori_loop(0, 31, col_body, (zero16, zero16))
            vt = buf[r, pl.ds(CLASSES - 16, 16)]
            a0 = a0 + jnp.where(tail_mask, jnp.exp(vt), 0.0)
            s_buf[r, pl.ds(0, 16)] = a0 + a1
            t_r = t_buf[pl.ds(r, 16)][0]
            start = jnp.minimum(t_r, CLASSES - 16)
            vw = buf[r, pl.ds(start, 16)]
            return xt_s + jnp.where(lane == t_r - start, vw, 0.0)

        xt_sum = lax.fori_loop(0, CH, row_body, xt_sum)
        pltpu.sync_copy(s_buf, s_out.at[pl.ds(out0 + c * CH, CH), :])
        return xt_sum

    xt_sum = lax.fori_loop(0, NCH, chunk_body, zero16)
    stage[...] = xt_sum
    pltpu.sync_copy(stage, xt_out.at[wid, :])


@functools.partial(
    pl.kernel,
    mesh=plsc.VectorSubcoreMesh(core_axis_name="c", subcore_axis_name="s"),
    out_type=[
        jax.ShapeDtypeStruct((SC_ROWS, 16), jnp.float32),
        jax.ShapeDtypeStruct((NW, 16), jnp.float32),
    ],
    scratch_types=[
        pltpu.VMEM((CH, CLASSES), jnp.float32),
        pltpu.VMEM((CH + 16,), jnp.int32),
        pltpu.VMEM((CH, 16), jnp.float32),
        pltpu.VMEM((16,), jnp.float32),
    ],
    compiler_params=pltpu.CompilerParams(use_tc_tiling_on_sc=False),
)
def _sc_kernel(logits_hbm, targets_hbm, s_out, xt_out, buf, t_buf, s_buf, stage):
    _sc_body(logits_hbm, targets_hbm, s_out, xt_out, buf, t_buf, s_buf, stage)



def _fin_kernel(gid_ref, u_ref, aux_ref, ccb_ref, acc_ref,
                s_ref, xt_ref, out_ref, us_ref, ces_ref):
    for k in range(N_GPB):
        part = s_ref[k * SC_PER_SLOT:(k + 1) * SC_PER_SLOT, :]
        row_tot = jnp.sum(part, axis=1)
        lse_sum = jnp.sum(jnp.log(row_tot))
        xt_sum = jnp.sum(xt_ref[k * PPS:(k + 1) * PPS, :])
        ces_ref[k] = acc_ref[k] + lse_sum - xt_sum

    c = ccb_ref[0]
    c_buf = ccb_ref[1]
    for j in range(N_GROUPS):
        us_ref[j] = u_ref[j]
    for k in range(N_GPB):
        ce_d = ces_ref[k] * INV_BPG
        gk = gid_ref[k]
        ug = u_ref[gk]
        val = ug + GAMMA * (ce_d - c - ug) + THETA * (ce_d - c - (aux_ref[k] - c_buf))
        us_ref[gk] = val
    total = 0.0
    for k in range(N_GPB):
        w = jnp.minimum(jnp.exp(us_ref[gid_ref[k]] / LAMDA), 1.0 / ALPHA)
        total = total + w * (ces_ref[k] * INV_BPG)
    out_ref[0] = total / N_GPB


@jax.jit
def _run(logits, targets3, targets, gid, u, aux, ccb):
    s_sc, xt_sc = _sc_kernel(logits, targets)

    acc_tc = pl.pallas_call(
        _tc_kernel,
        grid=(GTC,),
        in_specs=[
            pl.BlockSpec((RB, CLASSES),
                         lambda i: ((i // TPB) * (SLOT // RB) + i % TPB, 0)),
            pl.BlockSpec((1, 1, RB),
                         lambda i: ((i // TPB) * (SLOT // RB) + i % TPB, 0, 0)),
        ],
        out_specs=pl.BlockSpec(memory_space=pltpu.SMEM),
        out_shape=jax.ShapeDtypeStruct((N_GPB,), jnp.float32),
        compiler_params=pltpu.CompilerParams(
            dimension_semantics=("arbitrary",)),
    )(logits, targets3)

    loss = pl.pallas_call(
        _fin_kernel,
        in_specs=[
            pl.BlockSpec(memory_space=pltpu.SMEM),
            pl.BlockSpec(memory_space=pltpu.SMEM),
            pl.BlockSpec(memory_space=pltpu.SMEM),
            pl.BlockSpec(memory_space=pltpu.SMEM),
            pl.BlockSpec(memory_space=pltpu.SMEM),
            pl.BlockSpec((SC_ROWS, 16), lambda: (0, 0)),
            pl.BlockSpec((NW, 16), lambda: (0, 0)),
        ],
        out_specs=pl.BlockSpec(memory_space=pltpu.SMEM),
        out_shape=jax.ShapeDtypeStruct((1,), jnp.float32),
        scratch_shapes=[
            pltpu.SMEM((N_GROUPS,), jnp.float32),
            pltpu.SMEM((N_GPB,), jnp.float32),
        ],
    )(gid, u, aux, ccb, acc_tc, s_sc, xt_sc)
    return loss[0]


def kernel(epoch, logits, targets, group_ids, aux_ce_loss, u, c, c_buf):
    gid = group_ids[:: SLOT]
    t32 = targets.astype(jnp.int32)
    targets3 = t32.reshape(ROWS // RB, 1, RB)
    ccb = jnp.stack([jnp.asarray(c, jnp.float32), jnp.asarray(c_buf, jnp.float32)])
    return _run(logits, targets3, t32, gid, u, aux_ce_loss, ccb)

# --- scband reference (transcript-rebuilt; emitter-appended) ---
"""Pipeline reference for scband-sonex-5506148074153 (READ-ONLY COPY).

The authoritative reference and input builder live on the scoring server;
editing this copy changes nothing except your own understanding.
"""

import jax, jax.numpy as jnp
import numpy as np

ALPHA = 0.2
GAMMA = 0.2
THETA = 0.1
LAMDA = 0.1
N_GROUPS = 10
N_GPB = 8


def grad_smCVaR(u, lamda, alpha):
    # Smoothed CVaR weight: capped exponential tilt (standard smoothed-CVaR gradient form)
    return jnp.minimum(jnp.exp(u / lamda), 1.0 / alpha)


def cross_entropy_none(logits, targets):
    logp = jax.nn.log_softmax(logits, axis=-1)
    return -jnp.take_along_axis(logp, targets[:, None], axis=-1)[:, 0]


def setup_inputs(seed: int = 0) -> dict:
    key = jax.random.key(seed)
    k1, k2, k3, k4 = jax.random.split(key, 4)
    logits = jax.random.normal(k1, (16384, 1000), dtype=jnp.float32)
    targets = jax.random.randint(k2, (16384,), 0, 1000, dtype=jnp.int64) if jax.config.jax_enable_x64 else jax.random.randint(k2, (16384,), 0, 1000, dtype=jnp.int32)
    group_ids = jax.random.randint(k3, (16384,), 0, 10, dtype=jnp.int32)
    aux_ce_loss = jax.random.uniform(k4, (8,), dtype=jnp.float32)
    # module buffers (state), sized per init_kwargs
    u = jnp.zeros((N_GROUPS,), dtype=jnp.float32)
    c = jnp.float32(0.0)
    c_buf = jnp.float32(0.0)
    return {"epoch": 1, "logits": logits, "targets": targets, "group_ids": group_ids,
            "aux_ce_loss": aux_ce_loss, "u": u, "c": c, "c_buf": c_buf}


def reference(epoch, logits, targets, group_ids, aux_ce_loss, u, c, c_buf):
    bsz = group_ids.shape[0]
    bsz_per_group = bsz // N_GPB
    gid = group_ids.reshape(N_GPB, bsz_per_group)[:, 0]
    ce_loss = cross_entropy_none(logits, targets).reshape(N_GPB, bsz_per_group).mean(axis=1)
    ce_d = jax.lax.stop_gradient(ce_loss)
    aux_d = jax.lax.stop_gradient(aux_ce_loss)
    # u update (theta != 0 branch); u is a non-differentiable buffer
    u_g = u[gid]
    u_new_vals = u_g + GAMMA * (ce_d - c - u_g) + THETA * (ce_d - c - (aux_d - c_buf))
    u_new = u.at[gid].set(u_new_vals)
    w = jax.lax.stop_gradient(grad_smCVaR(u_new[gid], LAMDA, ALPHA))
    loss = w * ce_loss
    return loss.mean()

if __name__ == "__main__":
    import jax
    _d = setup_inputs()
    print(jax.jit(kernel)(*tuple(_d.values())))

</pallas_src>

<mosaic_0001>
#map = affine_map<(d0, d1) -> (0, 0)>
#map1 = affine_map<(d0, d1) -> (0)>
module attributes {stable_mosaic.version = 14 : i64} {
  func.func @_sc_kernel(%arg0: i32, %arg1: i32, %arg2: memref<16384x1000xf32, #tpu.memory_space<hbm>>, %arg3: memref<16384xi32, #tpu.memory_space<hbm>>, %arg4: memref<8192x16xf32, #tpu.memory_space<hbm>>, %arg5: memref<32x16xf32, #tpu.memory_space<hbm>>, %arg6: memref<32x1000xf32, #tpu.memory_space<vmem>>, %arg7: memref<48xi32, #tpu.memory_space<vmem>>, %arg8: memref<32x16xf32, #tpu.memory_space<vmem>>, %arg9: memref<16xf32, #tpu.memory_space<vmem>>) attributes {dimension_semantics = [#tpu.dimension_semantics<core_parallel>, #tpu.dimension_semantics<subcore_parallel>], iteration_bounds = array<i64: 2, 16>, scalar_prefetch = 0 : i64, scratch_operands = 4 : i64, tpu.core_type = #tpu.core_type<sc_vector_subcore>, window_params = [{transform_indices = #map}, {transform_indices = #map1}, {transform_indices = #map}, {transform_indices = #map}]} {
    %mul3A = arith.constant 2 : i32
    %mul3A_0 = arith.muli %arg1, %mul3A : i32
    %add3A = arith.addi %mul3A_0, %arg0 : i32
    %jit3A = arith.constant 4 : i32
    %div3A = arith.divsi %add3A, %jit3A : i32
    %sign3A = arith.constant 0 : i32
    %sign3A_1 = arith.cmpi sgt, %add3A, %sign3A : i32
    %sign3A_2 = arith.extui %sign3A_1 : i1 to i32
    %sign3A_3 = arith.constant 0 : i32
    %sign3A_4 = arith.cmpi slt, %add3A, %sign3A_3 : i32
    %sign3A_5 = arith.extui %sign3A_4 : i1 to i32
    %sign3A_6 = arith.subi %sign3A_2, %sign3A_5 : i32
    %sign3A_7 = arith.constant 0 : i32
    %sign3A_8 = arith.cmpi sgt, %jit3A, %sign3A_7 : i32
    %sign3A_9 = arith.extui %sign3A_8 : i1 to i32
    %sign3A_10 = arith.constant 0 : i32
    %sign3A_11 = arith.cmpi slt, %jit3A, %sign3A_10 : i32
    %sign3A_12 = arith.extui %sign3A_11 : i1 to i32
    %sign3A_13 = arith.subi %sign3A_9, %sign3A_12 : i32
    %ne3A = arith.cmpi ne, %sign3A_6, %sign3A_13 : i32
    %rem3A = arith.remsi %add3A, %jit3A : i32
    %ne3A_14 = arith.constant 0 : i32
    %ne3A_15 = arith.cmpi ne, %rem3A, %ne3A_14 : i32
    %and3A = arith.andi %ne3A, %ne3A_15 : i1
    %sub3A = arith.constant 1 : i32
    %sub3A_16 = arith.subi %div3A, %sub3A : i32
    %select_n3A = arith.select %and3A, %sub3A_16, %div3A : i32
    %jit3A_17 = arith.constant 4 : i32
    %eq3A = arith.constant 0 : i32
    %eq3A_18 = arith.cmpi eq, %jit3A_17, %eq3A : i32
    %jit3A_19 = arith.constant 1 : i32
    %select_n3A_20 = arith.select %eq3A_18, %jit3A_19, %jit3A_17 : i32
    %rem3A_21 = arith.remsi %add3A, %select_n3A_20 : i32
    %ne3A_22 = arith.constant 0 : i32
    %ne3A_23 = arith.cmpi ne, %rem3A_21, %ne3A_22 : i32
    %lt3A = arith.constant 0 : i32
    %lt3A_24 = arith.cmpi slt, %rem3A_21, %lt3A : i32
    %lt3A_25 = arith.constant 0 : i32
    %lt3A_26 = arith.cmpi slt, %select_n3A_20, %lt3A_25 : i32
    %ne3A_27 = arith.xori %lt3A_24, %lt3A_26 : i1
    %and3A_28 = arith.andi %ne3A_27, %ne3A_23 : i1
    %add3A_29 = arith.addi %rem3A_21, %select_n3A_20 : i32
    %select_n3A_30 = arith.select %and3A_28, %add3A_29, %rem3A_21 : i32
    %mul3A_31 = arith.constant 2048 : i32
    %mul3A_32 = arith.muli %select_n3A, %mul3A_31 : i32
    %add3A_33 = arith.constant 1024 : i32
    %add3A_34 = arith.addi %mul3A_32, %add3A_33 : i32
    %mul3A_35 = arith.constant 256 : i32
    %mul3A_36 = arith.muli %select_n3A_30, %mul3A_35 : i32
    %add3A_37 = arith.addi %add3A_34, %mul3A_36 : i32
    %mul3A_38 = arith.constant 1024 : i32
    %mul3A_39 = arith.muli %select_n3A, %mul3A_38 : i32
    %mul3A_40 = arith.constant 256 : i32
    %mul3A_41 = arith.muli %select_n3A_30, %mul3A_40 : i32
    %add3A_42 = arith.addi %mul3A_39, %mul3A_41 : i32
    %iota3A = tpu.iota {dimensions = array<i32: 0>} : vector<16xi32>
    %broadcast_in_dim3A = arith.constant 0.000000e+00 : f32
    %broadcast_in_dim3A_43 = vector.broadcast %broadcast_in_dim3A : f32 to vector<16xf32>
    %ge3A = arith.constant 8 : i32
    %ge3A_44 = vector.broadcast %ge3A : i32 to vector<16xi32>
    %ge3A_45 = arith.cmpi sge, %iota3A, %ge3A_44 : vector<16xi32>
    %scan3A = arith.constant 0 : i32
    %scan3A_46 = arith.constant 8 : i32
    %scan3A_47 = arith.addi %scan3A, %scan3A_46 : i32
    %scan3A_48 = arith.constant 1 : i32
    %scan3A_49 = scf.for %scan3A_54 = %scan3A to %scan3A_47 step %scan3A_48 iter_args(%scan3A_55 = %broadcast_in_dim3A_43) -> (vector<16xf32>)  : i32 {
      %mul3A_56 = arith.constant 32 : i32
      %mul3A_57 = arith.muli %scan3A_54, %mul3A_56 : i32
      %add3A_58 = arith.addi %add3A_37, %mul3A_57 : i32
      "tpu.region"() ({
        %run_scoped3A = tpu.sem_alloc : memref<!tpu.dma_semaphore, #tpu.memory_space<semaphore_mem>>
        %dma_start3A = arith.constant 0 : i32
        %dma_start3A_68 = tpu.memref_slice %arg2[%add3A_58, %dma_start3A] : memref<16384x1000xf32, #tpu.memory_space<hbm>> -> memref<32x1000xf32, #tpu.memory_space<hbm>>
        %dma_start3A_69 = arith.constant 0 : i32
        %dma_start3A_70 = tpu.memref_slice %arg2[%add3A_58, %dma_start3A_69] : memref<16384x1000xf32, #tpu.memory_space<hbm>> -> memref<32x1000xf32, #tpu.memory_space<hbm>>
        tpu.enqueue_dma source(%dma_start3A_70 : memref<32x1000xf32, #tpu.memory_space<hbm>>) target(%arg6 : memref<32x1000xf32, #tpu.memory_space<vmem>>) target_semaphore(%run_scoped3A : memref<!tpu.dma_semaphore, #tpu.memory_space<semaphore_mem>>)
        %dma_wait3A = arith.constant 0 : i32
        %dma_wait3A_71 = tpu.memref_slice %arg2[%add3A_58, %dma_wait3A] : memref<16384x1000xf32, #tpu.memory_space<hbm>> -> memref<32x1000xf32, #tpu.memory_space<hbm>>
        %dma_wait3A_72 = arith.constant 0 : i32
        %dma_wait3A_73 = tpu.memref_slice %arg2[%add3A_58, %dma_wait3A_72] : memref<16384x1000xf32, #tpu.memory_space<hbm>> -> memref<32x1000xf32, #tpu.memory_space<hbm>>
        tpu.wait_dma2 semaphore(%run_scoped3A : memref<!tpu.dma_semaphore, #tpu.memory_space<semaphore_mem>>) src(%dma_wait3A_73 : memref<32x1000xf32, #tpu.memory_space<hbm>>) dst(%arg6 : memref<32x1000xf32, #tpu.memory_space<vmem>>)
        tpu.yield
      }) : () -> ()
      "tpu.region"() ({
        %run_scoped3A = tpu.sem_alloc : memref<!tpu.dma_semaphore, #tpu.memory_space<semaphore_mem>>
        %dma_start3A = arith.constant 0 : i32
        %dma_start3A_68 = tpu.memref_slice %arg7[%dma_start3A] : memref<48xi32, #tpu.memory_space<vmem>> -> memref<32xi32, #tpu.memory_space<vmem>>
        %dma_start3A_69 = tpu.memref_slice %arg3[%add3A_58] : memref<16384xi32, #tpu.memory_space<hbm>> -> memref<32xi32, #tpu.memory_space<hbm>>
        %dma_start3A_70 = arith.constant 0 : i32
        %dma_start3A_71 = tpu.memref_slice %arg7[%dma_start3A_70] : memref<48xi32, #tpu.memory_space<vmem>> -> memref<32xi32, #tpu.memory_space<vmem>>
        %dma_start3A_72 = tpu.memref_slice %arg3[%add3A_58] : memref<16384xi32, #tpu.memory_space<hbm>> -> memref<32xi32, #tpu.memory_space<hbm>>
        tpu.enqueue_dma source(%dma_start3A_72 : memref<32xi32, #tpu.memory_space<hbm>>) target(%dma_start3A_71 : memref<32xi32, #tpu.memory_space<vmem>>) target_semaphore(%run_scoped3A : memref<!tpu.dma_semaphore, #tpu.memory_space<semaphore_mem>>)
        %dma_wait3A = arith.constant 0 : i32
        %dma_wait3A_73 = tpu.memref_slice %arg7[%dma_wait3A] : memref<48xi32, #tpu.memory_space<vmem>> -> memref<32xi32, #tpu.memory_space<vmem>>
        %dma_wait3A_74 = tpu.memref_slice %arg3[%add3A_58] : memref<16384xi32, #tpu.memory_space<hbm>> -> memref<32xi32, #tpu.memory_space<hbm>>
        %dma_wait3A_75 = arith.constant 0 : i32
        %dma_wait3A_76 = tpu.memref_slice %arg7[%dma_wait3A_75] : memref<48xi32, #tpu.memory_space<vmem>> -> memref<32xi32, #tpu.memory_space<vmem>>
        %dma_wait3A_77 = tpu.memref_slice %arg3[%add3A_58] : memref<16384xi32, #tpu.memory_space<hbm>> -> memref<32xi32, #tpu.memory_space<hbm>>
        tpu.wait_dma2 semaphore(%run_scoped3A : memref<!tpu.dma_semaphore, #tpu.memory_space<semaphore_mem>>) src(%dma_wait3A_77 : memref<32xi32, #tpu.memory_space<hbm>>) dst(%dma_wait3A_76 : memref<32xi32, #tpu.memory_space<vmem>>)
        tpu.yield
      }) : () -> ()
      %scan3A_59 = arith.constant 0 : i32
      %scan3A_60 = arith.constant 32 : i32
      %scan3A_61 = arith.addi %scan3A_59, %scan3A_60 : i32
      %scan3A_62 = arith.constant 1 : i32
      %scan3A_63 = scf.for %scan3A_68 = %scan3A_59 to %scan3A_61 step %scan3A_62 iter_args(%scan3A_69 = %scan3A_55) -> (vector<16xf32>)  : i32 {
        %scan3A_70 = arith.constant 0 : i32
        %scan3A_71 = arith.constant 31 : i32
        %scan3A_72 = arith.addi %scan3A_70, %scan3A_71 : i32
        %scan3A_73 = arith.constant 1 : i32
        %scan3A_74:2 = scf.for %scan3A_104 = %scan3A_70 to %scan3A_72 step %scan3A_73 iter_args(%scan3A_105 = %broadcast_in_dim3A_43, %scan3A_106 = %broadcast_in_dim3A_43) -> (vector<16xf32>, vector<16xf32>)  : i32 {
          %mul3A_107 = arith.constant 32 : i32
          %mul3A_108 = arith.muli %scan3A_104, %mul3A_107 : i32
          %get3A_109 = arith.index_cast %scan3A_68 : i32 to index
          %get3A_110 = arith.index_cast %mul3A_108 : i32 to index
          %get3A_111 = tpu.vector_load %arg6[%get3A_109, %get3A_110] {strides = array<i32>} : memref<32x1000xf32, #tpu.memory_space<vmem>>, vector<1x16xf32>,
          %get3A_112 = vector.shape_cast %get3A_111 : vector<1x16xf32> to vector<16xf32>
          %exp3A_113 = math.exp %get3A_112 : vector<16xf32>
          %add3A_114 = arith.addf %scan3A_105, %exp3A_113 : vector<16xf32>
          %mul3A_115 = arith.constant 32 : i32
          %mul3A_116 = arith.muli %scan3A_104, %mul3A_115 : i32
          %add3A_117 = arith.constant 16 : i32
          %add3A_118 = arith.addi %mul3A_116, %add3A_117 : i32
          %get3A_119 = arith.index_cast %scan3A_68 : i32 to index
          %get3A_120 = arith.index_cast %add3A_118 : i32 to index
          %get3A_121 = tpu.vector_load %arg6[%get3A_119, %get3A_120] {strides = array<i32>} : memref<32x1000xf32, #tpu.memory_space<vmem>>, vector<1x16xf32>,
          %get3A_122 = vector.shape_cast %get3A_121 : vector<1x16xf32> to vector<16xf32>
          %exp3A_123 = math.exp %get3A_122 : vector<16xf32>
          %add3A_124 = arith.addf %scan3A_106, %exp3A_123 : vector<16xf32>
          scf.yield %add3A_114, %add3A_124 : vector<16xf32>, vector<16xf32>
        }
        %scan3A_75 = arith.constant 31 : i32
        %get3A = arith.index_cast %scan3A_68 : i32 to index
        %get3A_76 = arith.constant 984 : index
        %get3A_77 = tpu.vector_load %arg6[%get3A, %get3A_76] {strides = array<i32>} : memref<32x1000xf32, #tpu.memory_space<vmem>>, vector<1x16xf32>,
        %get3A_78 = vector.shape_cast %get3A_77 : vector<1x16xf32> to vector<16xf32>
        %exp3A = math.exp %get3A_78 : vector<16xf32>
        %jit3A_79 = arith.constant 0.000000e+00 : f32
        %broadcast_in_dim3A_80 = vector.broadcast %jit3A_79 : f32 to vector<16xf32>
        %select_n3A_81 = arith.select %ge3A_45, %exp3A, %broadcast_in_dim3A_80 : vector<16xi1>, vector<16xf32>
        %add3A_82 = arith.addf %scan3A_74#0, %select_n3A_81 : vector<16xf32>
        %add3A_83 = arith.addf %add3A_82, %scan3A_74#1 : vector<16xf32>
        %swap3A_84 = arith.index_cast %scan3A_68 : i32 to index
        %swap3A_85 = arith.constant 0 : index
        %swap3A_86 = tpu.vector_load %arg8[%swap3A_84, %swap3A_85] {strides = array<i32>} : memref<32x16xf32, #tpu.memory_space<vmem>>, vector<1x16xf32>,
        %swap3A_87 = vector.shape_cast %swap3A_86 : vector<1x16xf32> to vector<16xf32>
        %swap3A_88 = vector.shape_cast %add3A_83 : vector<16xf32> to vector<1x16xf32>
        tpu.vector_store %arg8[%swap3A_84, %swap3A_85], %swap3A_88 {strides = array<i32>} : memref<32x16xf32, #tpu.memory_space<vmem>>, vector<1x16xf32>,
        %get3A_89 = arith.index_cast %scan3A_68 : i32 to index
        %get3A_90 = tpu.vector_load %arg7[%get3A_89] {strides = array<i32>} : memref<48xi32, #tpu.memory_space<vmem>>, vector<16xi32>,
        %get3A_91 = vector.shape_cast %get3A_90 : vector<16xi32> to vector<16xi32>
        %slice3A = vector.extract_strided_slice %get3A_91 {offsets = [0], sizes = [1], strides = [1]} : vector<16xi32> to vector<1xi32>
        %squeeze3A = vector.extract %slice3A[0] : i32 from vector<1xi32>
        %min3A = arith.constant 984 : i32
        %min3A_92 = arith.minsi %squeeze3A, %min3A : i32
        %get3A_93 = arith.index_cast %scan3A_68 : i32 to index
        %get3A_94 = arith.index_cast %min3A_92 : i32 to index
        %get3A_95 = tpu.vector_load %arg6[%get3A_93, %get3A_94] {strides = array<i32>} : memref<32x1000xf32, #tpu.memory_space<vmem>>, vector<1x16xf32>,
        %get3A_96 = vector.shape_cast %get3A_95 : vector<1x16xf32> to vector<16xf32>
        %sub3A_97 = arith.subi %squeeze3A, %min3A_92 : i32
        %eq3A_98 = vector.broadcast %sub3A_97 : i32 to vector<16xi32>
        %eq3A_99 = arith.cmpi eq, %iota3A, %eq3A_98 : vector<16xi32>
        %jit3A_100 = arith.constant 0.000000e+00 : f32
        %broadcast_in_dim3A_101 = vector.broadcast %jit3A_100 : f32 to vector<16xf32>
        %select_n3A_102 = arith.select %eq3A_99, %get3A_96, %broadcast_in_dim3A_101 : vector<16xi1>, vector<16xf32>
        %add3A_103 = arith.addf %scan3A_69, %select_n3A_102 : vector<16xf32>
        scf.yield %add3A_103 : vector<16xf32>
      }
      %scan3A_64 = arith.constant 32 : i32
      %mul3A_65 = arith.constant 32 : i32
      %mul3A_66 = arith.muli %scan3A_54, %mul3A_65 : i32
      %add3A_67 = arith.addi %add3A_42, %mul3A_66 : i32
      "tpu.region"() ({
        %run_scoped3A = tpu.sem_alloc : memref<!tpu.dma_semaphore, #tpu.memory_space<semaphore_mem>>
        %dma_start3A = arith.constant 0 : i32
        %dma_start3A_68 = tpu.memref_slice %arg4[%add3A_67, %dma_start3A] : memref<8192x16xf32, #tpu.memory_space<hbm>> -> memref<32x16xf32, #tpu.memory_space<hbm>>
        %dma_start3A_69 = arith.constant 0 : i32
        %dma_start3A_70 = tpu.memref_slice %arg4[%add3A_67, %dma_start3A_69] : memref<8192x16xf32, #tpu.memory_space<hbm>> -> memref<32x16xf32, #tpu.memory_space<hbm>>
        tpu.enqueue_dma source(%arg8 : memref<32x16xf32, #tpu.memory_space<vmem>>) target(%dma_start3A_70 : memref<32x16xf32, #tpu.memory_space<hbm>>) target_semaphore(%run_scoped3A : memref<!tpu.dma_semaphore, #tpu.memory_space<semaphore_mem>>)
        %dma_wait3A = arith.constant 0 : i32
        %dma_wait3A_71 = tpu.memref_slice %arg4[%add3A_67, %dma_wait3A] : memref<8192x16xf32, #tpu.memory_space<hbm>> -> memref<32x16xf32, #tpu.memory_space<hbm>>
        %dma_wait3A_72 = arith.constant 0 : i32
        %dma_wait3A_73 = tpu.memref_slice %arg4[%add3A_67, %dma_wait3A_72] : memref<8192x16xf32, #tpu.memory_space<hbm>> -> memref<32x16xf32, #tpu.memory_space<hbm>>
        tpu.wait_dma2 semaphore(%run_scoped3A : memref<!tpu.dma_semaphore, #tpu.memory_space<semaphore_mem>>) src(%arg8 : memref<32x16xf32, #tpu.memory_space<vmem>>) dst(%dma_wait3A_73 : memref<32x16xf32, #tpu.memory_space<hbm>>)
        tpu.yield
      }) : () -> ()
      scf.yield %scan3A_63 : vector<16xf32>
    }
    %scan3A_50 = arith.constant 8 : i32
    %swap3A = arith.constant 0 : index
    %swap3A_51 = tpu.vector_load %arg9[%swap3A] {strides = array<i32>} : memref<16xf32, #tpu.memory_space<vmem>>, vector<16xf32>,
    %swap3A_52 = vector.shape_cast %swap3A_51 : vector<16xf32> to vector<16xf32>
    %swap3A_53 = vector.shape_cast %scan3A_49 : vector<16xf32> to vector<16xf32>
    tpu.vector_store %arg9[%swap3A], %swap3A_53 {strides = array<i32>} : memref<16xf32, #tpu.memory_space<vmem>>, vector<16xf32>,
    "tpu.region"() ({
      %run_scoped3A = tpu.sem_alloc : memref<!tpu.dma_semaphore, #tpu.memory_space<semaphore_mem>>
      %dma_start3A = arith.constant 0 : i32
      %dma_start3A_54 = tpu.memref_slice %arg5[%add3A, %dma_start3A] : memref<32x16xf32, #tpu.memory_space<hbm>> -> memref<1x16xf32, #tpu.memory_space<hbm>>
      %dma_start3A_55 = tpu.memref_squeeze %dma_start3A_54 : memref<1x16xf32, #tpu.memory_space<hbm>> -> memref<16xf32, #tpu.memory_space<hbm>>
      %dma_start3A_56 = arith.constant 0 : i32
      %dma_start3A_57 = tpu.memref_slice %arg5[%add3A, %dma_start3A_56] : memref<32x16xf32, #tpu.memory_space<hbm>> -> memref<1x16xf32, #tpu.memory_space<hbm>>
      %dma_start3A_58 = tpu.memref_squeeze %dma_start3A_57 : memref<1x16xf32, #tpu.memory_space<hbm>> -> memref<16xf32, #tpu.memory_space<hbm>>
      tpu.enqueue_dma source(%arg9 : memref<16xf32, #tpu.memory_space<vmem>>) target(%dma_start3A_58 : memref<16xf32, #tpu.memory_space<hbm>>) target_semaphore(%run_scoped3A : memref<!tpu.dma_semaphore, #tpu.memory_space<semaphore_mem>>)
      %dma_wait3A = arith.constant 0 : i32
      %dma_wait3A_59 = tpu.memref_slice %arg5[%add3A, %dma_wait3A] : memref<32x16xf32, #tpu.memory_space<hbm>> -> memref<1x16xf32, #tpu.memory_space<hbm>>
      %dma_wait3A_60 = tpu.memref_squeeze %dma_wait3A_59 : memref<1x16xf32, #tpu.memory_space<hbm>> -> memref<16xf32, #tpu.memory_space<hbm>>
      %dma_wait3A_61 = arith.constant 0 : i32
      %dma_wait3A_62 = tpu.memref_slice %arg5[%add3A, %dma_wait3A_61] : memref<32x16xf32, #tpu.memory_space<hbm>> -> memref<1x16xf32, #tpu.memory_space<hbm>>
      %dma_wait3A_63 = tpu.memref_squeeze %dma_wait3A_62 : memref<1x16xf32, #tpu.memory_space<hbm>> -> memref<16xf32, #tpu.memory_space<hbm>>
      tpu.wait_dma2 semaphore(%run_scoped3A : memref<!tpu.dma_semaphore, #tpu.memory_space<semaphore_mem>>) src(%arg9 : memref<16xf32, #tpu.memory_space<vmem>>) dst(%dma_wait3A_63 : memref<16xf32, #tpu.memory_space<hbm>>)
      tpu.yield
    }) : () -> ()
    return
  }
}

module attributes {stable_mosaic.version = 14 : i64} {
  func.func @_tc_kernel(%arg0: i32, %arg1: memref<512x1000xf32, #tpu.memory_space<vmem>>, %arg2: memref<1x1x512xi32, #tpu.memory_space<vmem>>, %arg3: memref<8xf32, #tpu.memory_space<smem>>) attributes {dimension_semantics = [#tpu.dimension_semantics<arbitrary>], iteration_bounds = array<i64: 16>, scalar_prefetch = 0 : i64, scratch_operands = 0 : i64, tpu.core_type = #tpu.core_type<tc>, window_params = [{transform_indices = @transform_0, window_bounds = array<i64: 512, 1000>}, {transform_indices = @transform_1, window_bounds = array<i64: 1, 1, 512>}, {transform_indices = @transform_2, window_bounds = array<i64: 8>}]} {
    %eq3A = arith.constant 0 : i32
    %eq3A_0 = arith.cmpi eq, %arg0, %eq3A : i32
    %convert_element_type3A = arith.extui %eq3A_0 : i1 to i32
    %cond3A = arith.constant 0 : i32
    %cond3A_1 = arith.cmpi ne, %convert_element_type3A, %cond3A : i32
    scf.if %cond3A_1 {
      %swap3A_47 = arith.constant 0.000000e+00 : f32
      %swap3A_48 = arith.constant 0 : index
      %swap3A_49 = memref.load %arg3[%swap3A_48] : memref<8xf32, #tpu.memory_space<smem>>
      memref.store %swap3A_47, %arg3[%swap3A_48] : memref<8xf32, #tpu.memory_space<smem>>
      %swap3A_50 = arith.constant 0.000000e+00 : f32
      %swap3A_51 = arith.constant 1 : index
      %swap3A_52 = memref.load %arg3[%swap3A_51] : memref<8xf32, #tpu.memory_space<smem>>
      memref.store %swap3A_50, %arg3[%swap3A_51] : memref<8xf32, #tpu.memory_space<smem>>
      %swap3A_53 = arith.constant 0.000000e+00 : f32
      %swap3A_54 = arith.constant 2 : index
      %swap3A_55 = memref.load %arg3[%swap3A_54] : memref<8xf32, #tpu.memory_space<smem>>
      memref.store %swap3A_53, %arg3[%swap3A_54] : memref<8xf32, #tpu.memory_space<smem>>
      %swap3A_56 = arith.constant 0.000000e+00 : f32
      %swap3A_57 = arith.constant 3 : index
      %swap3A_58 = memref.load %arg3[%swap3A_57] : memref<8xf32, #tpu.memory_space<smem>>
      memref.store %swap3A_56, %arg3[%swap3A_57] : memref<8xf32, #tpu.memory_space<smem>>
      %swap3A_59 = arith.constant 0.000000e+00 : f32
      %swap3A_60 = arith.constant 4 : index
      %swap3A_61 = memref.load %arg3[%swap3A_60] : memref<8xf32, #tpu.memory_space<smem>>
      memref.store %swap3A_59, %arg3[%swap3A_60] : memref<8xf32, #tpu.memory_space<smem>>
      %swap3A_62 = arith.constant 0.000000e+00 : f32
      %swap3A_63 = arith.constant 5 : index
      %swap3A_64 = memref.load %arg3[%swap3A_63] : memref<8xf32, #tpu.memory_space<smem>>
      memref.store %swap3A_62, %arg3[%swap3A_63] : memref<8xf32, #tpu.memory_space<smem>>
      %swap3A_65 = arith.constant 0.000000e+00 : f32
      %swap3A_66 = arith.constant 6 : index
      %swap3A_67 = memref.load %arg3[%swap3A_66] : memref<8xf32, #tpu.memory_space<smem>>
      memref.store %swap3A_65, %arg3[%swap3A_66] : memref<8xf32, #tpu.memory_space<smem>>
      %swap3A_68 = arith.constant 0.000000e+00 : f32
      %swap3A_69 = arith.constant 7 : index
      %swap3A_70 = memref.load %arg3[%swap3A_69] : memref<8xf32, #tpu.memory_space<smem>>
      memref.store %swap3A_68, %arg3[%swap3A_69] : memref<8xf32, #tpu.memory_space<smem>>
    } else {
    }
    %get3A = arith.constant 0 : index
    %get3A_2 = arith.constant 0 : index
    %get3A_3 = vector.load %arg1[%get3A, %get3A_2] : memref<512x1000xf32, #tpu.memory_space<vmem>>, vector<512x1000xf32>
    %get3A_4 = arith.constant 0 : index
    %get3A_5 = arith.constant 0 : index
    %get3A_6 = arith.constant 0 : index
    %get3A_7 = vector.load %arg2[%get3A_4, %get3A_5, %get3A_6] : memref<1x1x512xi32, #tpu.memory_space<vmem>>, vector<1x1x512xi32>
    %get3A_8 = vector.shape_cast %get3A_7 : vector<1x1x512xi32> to vector<512xi32>
    %reduce_max3A = arith.constant dense<0xFF800000> : vector<512xf32>
    %reduce_max3A_9 = vector.multi_reduction <maximumf>, %get3A_3, %reduce_max3A [1] : vector<512x1000xf32> to vector<512xf32>
    %broadcast_in_dim3A = vector.shape_cast %reduce_max3A_9 : vector<512xf32> to vector<512x1xf32>
    %sub3A = vector.broadcast %broadcast_in_dim3A : vector<512x1xf32> to vector<512x1000xf32>
    %sub3A_10 = arith.subf %get3A_3, %sub3A : vector<512x1000xf32>
    %exp3A = math.exp %sub3A_10 : vector<512x1000xf32>
    %reduce_sum3A = arith.constant dense<0.000000e+00> : vector<512xf32>
    %reduce_sum3A_11 = vector.multi_reduction <add>, %exp3A, %reduce_sum3A [1] : vector<512x1000xf32> to vector<512xf32>
    %log3A = math.log %reduce_sum3A_11 : vector<512xf32>
    %add3A = arith.addf %log3A, %reduce_max3A_9 : vector<512xf32>
    %iota3A = tpu.iota {dimensions = array<i32: 1>} : vector<512x1000xi32>
    %broadcast_in_dim3A_12 = vector.shape_cast %get3A_8 : vector<512xi32> to vector<512x1xi32>
    %eq3A_13 = vector.broadcast %broadcast_in_dim3A_12 : vector<512x1xi32> to vector<512x1000xi32>
    %eq3A_14 = arith.cmpi eq, %iota3A, %eq3A_13 : vector<512x1000xi32>
    %jit3A = arith.constant 0.000000e+00 : f32
    %broadcast_in_dim3A_15 = vector.broadcast %jit3A : f32 to vector<512x1000xf32>
    %select_n3A = arith.select %eq3A_14, %get3A_3, %broadcast_in_dim3A_15 : vector<512x1000xi1>, vector<512x1000xf32>
    %reduce_sum3A_16 = arith.constant dense<0.000000e+00> : vector<512xf32>
    %reduce_sum3A_17 = vector.multi_reduction <add>, %select_n3A, %reduce_sum3A_16 [1] : vector<512x1000xf32> to vector<512xf32>
    %jit3A_18 = arith.constant 2 : i32
    %div3A = arith.divsi %arg0, %jit3A_18 : i32
    %sign3A = arith.constant 0 : i32
    %sign3A_19 = arith.cmpi sgt, %arg0, %sign3A : i32
    %sign3A_20 = arith.extui %sign3A_19 : i1 to i32
    %sign3A_21 = arith.constant 0 : i32
    %sign3A_22 = arith.cmpi slt, %arg0, %sign3A_21 : i32
    %sign3A_23 = arith.extui %sign3A_22 : i1 to i32
    %sign3A_24 = arith.subi %sign3A_20, %sign3A_23 : i32
    %sign3A_25 = arith.constant 0 : i32
    %sign3A_26 = arith.cmpi sgt, %jit3A_18, %sign3A_25 : i32
    %sign3A_27 = arith.extui %sign3A_26 : i1 to i32
    %sign3A_28 = arith.constant 0 : i32
    %sign3A_29 = arith.cmpi slt, %jit3A_18, %sign3A_28 : i32
    %sign3A_30 = arith.extui %sign3A_29 : i1 to i32
    %sign3A_31 = arith.subi %sign3A_27, %sign3A_30 : i32
    %ne3A = arith.cmpi ne, %sign3A_24, %sign3A_31 : i32
    %rem3A = arith.remsi %arg0, %jit3A_18 : i32
    %ne3A_32 = arith.constant 0 : i32
    %ne3A_33 = arith.cmpi ne, %rem3A, %ne3A_32 : i32
    %and3A = arith.andi %ne3A, %ne3A_33 : i1
    %sub3A_34 = arith.constant 1 : i32
    %sub3A_35 = arith.subi %div3A, %sub3A_34 : i32
    %select_n3A_36 = arith.select %and3A, %sub3A_35, %div3A : i32
    %get3A_37 = arith.index_cast %select_n3A_36 : i32 to index
    %get3A_38 = memref.load %arg3[%get3A_37] : memref<8xf32, #tpu.memory_space<smem>>
    %sub3A_39 = arith.subf %add3A, %reduce_sum3A_17 : vector<512xf32>
    %reduce_sum3A_40 = vector.shape_cast %sub3A_39 : vector<512xf32> to vector<1x512xf32>
    %reduce_sum3A_41 = arith.constant dense<0.000000e+00> : vector<1xf32>
    %reduce_sum3A_42 = vector.multi_reduction <add>, %reduce_sum3A_40, %reduce_sum3A_41 [1] : vector<1x512xf32> to vector<1xf32>
    %reduce_sum3A_43 = vector.shape_cast %reduce_sum3A_42 : vector<1xf32> to vector<1x1xf32>
    %reduce_sum3A_44 = vector.extract %reduce_sum3A_43[0, 0] : f32 from vector<1x1xf32>
    %add3A_45 = arith.addf %get3A_38, %reduce_sum3A_44 : f32
    %swap3A = arith.index_cast %select_n3A_36 : i32 to index
    %swap3A_46 = memref.load %arg3[%swap3A] : memref<8xf32, #tpu.memory_space<smem>>
    memref.store %add3A_45, %arg3[%swap3A] : memref<8xf32, #tpu.memory_space<smem>>
    return
  }
  func.func @transform_0(%arg0: i32) -> (i32, i32) {
    %jit3A = arith.constant 2 : i32
    %div3A = arith.divsi %arg0, %jit3A : i32
    %sign3A = arith.constant 0 : i32
    %sign3A_0 = arith.cmpi sgt, %arg0, %sign3A : i32
    %sign3A_1 = arith.extui %sign3A_0 : i1 to i32
    %sign3A_2 = arith.constant 0 : i32
    %sign3A_3 = arith.cmpi slt, %arg0, %sign3A_2 : i32
    %sign3A_4 = arith.extui %sign3A_3 : i1 to i32
    %sign3A_5 = arith.subi %sign3A_1, %sign3A_4 : i32
    %sign3A_6 = arith.constant 0 : i32
    %sign3A_7 = arith.cmpi sgt, %jit3A, %sign3A_6 : i32
    %sign3A_8 = arith.extui %sign3A_7 : i1 to i32
    %sign3A_9 = arith.constant 0 : i32
    %sign3A_10 = arith.cmpi slt, %jit3A, %sign3A_9 : i32
    %sign3A_11 = arith.extui %sign3A_10 : i1 to i32
    %sign3A_12 = arith.subi %sign3A_8, %sign3A_11 : i32
    %ne3A = arith.cmpi ne, %sign3A_5, %sign3A_12 : i32
    %rem3A = arith.remsi %arg0, %jit3A : i32
    %ne3A_13 = arith.constant 0 : i32
    %ne3A_14 = arith.cmpi ne, %rem3A, %ne3A_13 : i32
    %and3A = arith.andi %ne3A, %ne3A_14 : i1
    %sub3A = arith.constant 1 : i32
    %sub3A_15 = arith.subi %div3A, %sub3A : i32
    %select_n3A = arith.select %and3A, %sub3A_15, %div3A : i32
    %mul3A = arith.constant 4 : i32
    %mul3A_16 = arith.muli %select_n3A, %mul3A : i32
    %jit3A_17 = arith.constant 2 : i32
    %eq3A = arith.constant 0 : i32
    %eq3A_18 = arith.cmpi eq, %jit3A_17, %eq3A : i32
    %jit3A_19 = arith.constant 1 : i32
    %select_n3A_20 = arith.select %eq3A_18, %jit3A_19, %jit3A_17 : i32
    %rem3A_21 = arith.remsi %arg0, %select_n3A_20 : i32
    %ne3A_22 = arith.constant 0 : i32
    %ne3A_23 = arith.cmpi ne, %rem3A_21, %ne3A_22 : i32
    %lt3A = arith.constant 0 : i32
    %lt3A_24 = arith.cmpi slt, %rem3A_21, %lt3A : i32
    %lt3A_25 = arith.constant 0 : i32
    %lt3A_26 = arith.cmpi slt, %select_n3A_20, %lt3A_25 : i32
    %ne3A_27 = arith.xori %lt3A_24, %lt3A_26 : i1
    %and3A_28 = arith.andi %ne3A_27, %ne3A_23 : i1
    %add3A = arith.addi %rem3A_21, %select_n3A_20 : i32
    %select_n3A_29 = arith.select %and3A_28, %add3A, %rem3A_21 : i32
    %add3A_30 = arith.addi %mul3A_16, %select_n3A_29 : i32
    %c0_i32 = arith.constant 0 : i32
    %c0_i32_31 = arith.constant 0 : i32
    return %add3A_30, %c0_i32 : i32, i32
  }
  func.func @transform_1(%arg0: i32) -> (i32, i32, i32) {
    %jit3A = arith.constant 2 : i32
    %div3A = arith.divsi %arg0, %jit3A : i32
    %sign3A = arith.constant 0 : i32
    %sign3A_0 = arith.cmpi sgt, %arg0, %sign3A : i32
    %sign3A_1 = arith.extui %sign3A_0 : i1 to i32
    %sign3A_2 = arith.constant 0 : i32
    %sign3A_3 = arith.cmpi slt, %arg0, %sign3A_2 : i32
    %sign3A_4 = arith.extui %sign3A_3 : i1 to i32
    %sign3A_5 = arith.subi %sign3A_1, %sign3A_4 : i32
    %sign3A_6 = arith.constant 0 : i32
    %sign3A_7 = arith.cmpi sgt, %jit3A, %sign3A_6 : i32
    %sign3A_8 = arith.extui %sign3A_7 : i1 to i32
    %sign3A_9 = arith.constant 0 : i32
    %sign3A_10 = arith.cmpi slt, %jit3A, %sign3A_9 : i32
    %sign3A_11 = arith.extui %sign3A_10 : i1 to i32
    %sign3A_12 = arith.subi %sign3A_8, %sign3A_11 : i32
    %ne3A = arith.cmpi ne, %sign3A_5, %sign3A_12 : i32
    %rem3A = arith.remsi %arg0, %jit3A : i32
    %ne3A_13 = arith.constant 0 : i32
    %ne3A_14 = arith.cmpi ne, %rem3A, %ne3A_13 : i32
    %and3A = arith.andi %ne3A, %ne3A_14 : i1
    %sub3A = arith.constant 1 : i32
    %sub3A_15 = arith.subi %div3A, %sub3A : i32
    %select_n3A = arith.select %and3A, %sub3A_15, %div3A : i32
    %mul3A = arith.constant 4 : i32
    %mul3A_16 = arith.muli %select_n3A, %mul3A : i32
    %jit3A_17 = arith.constant 2 : i32
    %eq3A = arith.constant 0 : i32
    %eq3A_18 = arith.cmpi eq, %jit3A_17, %eq3A : i32
    %jit3A_19 = arith.constant 1 : i32
    %select_n3A_20 = arith.select %eq3A_18, %jit3A_19, %jit3A_17 : i32
    %rem3A_21 = arith.remsi %arg0, %select_n3A_20 : i32
    %ne3A_22 = arith.constant 0 : i32
    %ne3A_23 = arith.cmpi ne, %rem3A_21, %ne3A_22 : i32
    %lt3A = arith.constant 0 : i32
    %lt3A_24 = arith.cmpi slt, %rem3A_21, %lt3A : i32
    %lt3A_25 = arith.constant 0 : i32
    %lt3A_26 = arith.cmpi slt, %select_n3A_20, %lt3A_25 : i32
    %ne3A_27 = arith.xori %lt3A_24, %lt3A_26 : i1
    %and3A_28 = arith.andi %ne3A_27, %ne3A_23 : i1
    %add3A = arith.addi %rem3A_21, %select_n3A_20 : i32
    %select_n3A_29 = arith.select %and3A_28, %add3A, %rem3A_21 : i32
    %add3A_30 = arith.addi %mul3A_16, %select_n3A_29 : i32
    %c0_i32 = arith.constant 0 : i32
    %c0_i32_31 = arith.constant 0 : i32
    %c0_i32_32 = arith.constant 0 : i32
    return %add3A_30, %c0_i32, %c0_i32_31 : i32, i32, i32
  }
  func.func @transform_2(%arg0: i32) -> i32 {
    %c0_i32 = arith.constant 0 : i32
    %c0_i32_0 = arith.constant 0 : i32
    return %c0_i32 : i32
  }
}

module attributes {stable_mosaic.version = 14 : i64} {
  func.func @_fin_kernel(%arg0: memref<8xi32, #tpu.memory_space<smem>>, %arg1: memref<10xf32, #tpu.memory_space<smem>>, %arg2: memref<8xf32, #tpu.memory_space<smem>>, %arg3: memref<2xf32, #tpu.memory_space<smem>>, %arg4: memref<8xf32, #tpu.memory_space<smem>>, %arg5: memref<8192x16xf32, #tpu.memory_space<vmem>>, %arg6: memref<32x16xf32, #tpu.memory_space<vmem>>, %arg7: memref<1xf32, #tpu.memory_space<smem>>, %arg8: memref<10xf32, #tpu.memory_space<smem>>, %arg9: memref<8xf32, #tpu.memory_space<smem>>) attributes {dimension_semantics = [], scalar_prefetch = 0 : i64, scratch_operands = 2 : i64, tpu.core_type = #tpu.core_type<tc>} {
    %get3A = arith.constant 0 : index
    %get3A_0 = arith.constant 0 : index
    %get3A_1 = vector.load %arg5[%get3A, %get3A_0] : memref<8192x16xf32, #tpu.memory_space<vmem>>, vector<1024x16xf32>
    %reduce_sum3A = arith.constant dense<0.000000e+00> : vector<1024xf32>
    %reduce_sum3A_2 = vector.multi_reduction <add>, %get3A_1, %reduce_sum3A [1] : vector<1024x16xf32> to vector<1024xf32>
    %log3A = math.log %reduce_sum3A_2 : vector<1024xf32>
    %reduce_sum3A_3 = vector.shape_cast %log3A : vector<1024xf32> to vector<1x1024xf32>
    %reduce_sum3A_4 = arith.constant dense<0.000000e+00> : vector<1xf32>
    %reduce_sum3A_5 = vector.multi_reduction <add>, %reduce_sum3A_3, %reduce_sum3A_4 [1] : vector<1x1024xf32> to vector<1xf32>
    %reduce_sum3A_6 = vector.shape_cast %reduce_sum3A_5 : vector<1xf32> to vector<1x1xf32>
    %reduce_sum3A_7 = vector.extract %reduce_sum3A_6[0, 0] : f32 from vector<1x1xf32>
    %get3A_8 = arith.constant 0 : index
    %get3A_9 = arith.constant 0 : index
    %get3A_10 = vector.load %arg6[%get3A_8, %get3A_9] : memref<32x16xf32, #tpu.memory_space<vmem>>, vector<4x16xf32>
    %reduce_sum3A_11 = vector.shape_cast %get3A_10 : vector<4x16xf32> to vector<1x4x16xf32>
    %reduce_sum3A_12 = arith.constant dense<0.000000e+00> : vector<1xf32>
    %reduce_sum3A_13 = vector.multi_reduction <add>, %reduce_sum3A_11, %reduce_sum3A_12 [1, 2] : vector<1x4x16xf32> to vector<1xf32>
    %reduce_sum3A_14 = vector.shape_cast %reduce_sum3A_13 : vector<1xf32> to vector<1x1x1xf32>
    %reduce_sum3A_15 = vector.extract %reduce_sum3A_14[0, 0, 0] : f32 from vector<1x1x1xf32>
    %get3A_16 = arith.constant 0 : index
    %get3A_17 = memref.load %arg4[%get3A_16] : memref<8xf32, #tpu.memory_space<smem>>
    %add3A = arith.addf %get3A_17, %reduce_sum3A_7 : f32
    %sub3A = arith.subf %add3A, %reduce_sum3A_15 : f32
    %swap3A = arith.constant 0 : index
    %swap3A_18 = memref.load %arg9[%swap3A] : memref<8xf32, #tpu.memory_space<smem>>
    memref.store %sub3A, %arg9[%swap3A] : memref<8xf32, #tpu.memory_space<smem>>
    %get3A_19 = arith.constant 1024 : index
    %get3A_20 = arith.constant 0 : index
    %get3A_21 = vector.load %arg5[%get3A_19, %get3A_20] : memref<8192x16xf32, #tpu.memory_space<vmem>>, vector<1024x16xf32>
    %reduce_sum3A_22 = arith.constant dense<0.000000e+00> : vector<1024xf32>
    %reduce_sum3A_23 = vector.multi_reduction <add>, %get3A_21, %reduce_sum3A_22 [1] : vector<1024x16xf32> to vector<1024xf32>
    %log3A_24 = math.log %reduce_sum3A_23 : vector<1024xf32>
    %reduce_sum3A_25 = vector.shape_cast %log3A_24 : vector<1024xf32> to vector<1x1024xf32>
    %reduce_sum3A_26 = arith.constant dense<0.000000e+00> : vector<1xf32>
    %reduce_sum3A_27 = vector.multi_reduction <add>, %reduce_sum3A_25, %reduce_sum3A_26 [1] : vector<1x1024xf32> to vector<1xf32>
    %reduce_sum3A_28 = vector.shape_cast %reduce_sum3A_27 : vector<1xf32> to vector<1x1xf32>
    %reduce_sum3A_29 = vector.extract %reduce_sum3A_28[0, 0] : f32 from vector<1x1xf32>
    %get3A_30 = arith.constant 4 : index
    %get3A_31 = arith.constant 0 : index
    %get3A_32 = vector.load %arg6[%get3A_30, %get3A_31] : memref<32x16xf32, #tpu.memory_space<vmem>>, vector<4x16xf32>
    %reduce_sum3A_33 = vector.shape_cast %get3A_32 : vector<4x16xf32> to vector<1x4x16xf32>
    %reduce_sum3A_34 = arith.constant dense<0.000000e+00> : vector<1xf32>
    %reduce_sum3A_35 = vector.multi_reduction <add>, %reduce_sum3A_33, %reduce_sum3A_34 [1, 2] : vector<1x4x16xf32> to vector<1xf32>
    %reduce_sum3A_36 = vector.shape_cast %reduce_sum3A_35 : vector<1xf32> to vector<1x1x1xf32>
    %reduce_sum3A_37 = vector.extract %reduce_sum3A_36[0, 0, 0] : f32 from vector<1x1x1xf32>
    %get3A_38 = arith.constant 1 : index
    %get3A_39 = memref.load %arg4[%get3A_38] : memref<8xf32, #tpu.memory_space<smem>>
    %add3A_40 = arith.addf %get3A_39, %reduce_sum3A_29 : f32
    %sub3A_41 = arith.subf %add3A_40, %reduce_sum3A_37 : f32
    %swap3A_42 = arith.constant 1 : index
    %swap3A_43 = memref.load %arg9[%swap3A_42] : memref<8xf32, #tpu.memory_space<smem>>
    memref.store %sub3A_41, %arg9[%swap3A_42] : memref<8xf32, #tpu.memory_space<smem>>
    %get3A_44 = arith.constant 2048 : index
    %get3A_45 = arith.constant 0 : index
    %get3A_46 = vector.load %arg5[%get3A_44, %get3A_45] : memref<8192x16xf32, #tpu.memory_space<vmem>>, vector<1024x16xf32>
    %reduce_sum3A_47 = arith.constant dense<0.000000e+00> : vector<1024xf32>
    %reduce_sum3A_48 = vector.multi_reduction <add>, %get3A_46, %reduce_sum3A_47 [1] : vector<1024x16xf32> to vector<1024xf32>
    %log3A_49 = math.log %reduce_sum3A_48 : vector<1024xf32>
    %reduce_sum3A_50 = vector.shape_cast %log3A_49 : vector<1024xf32> to vector<1x1024xf32>
    %reduce_sum3A_51 = arith.constant dense<0.000000e+00> : vector<1xf32>
    %reduce_sum3A_52 = vector.multi_reduction <add>, %reduce_sum3A_50, %reduce_sum3A_51 [1] : vector<1x1024xf32> to vector<1xf32>
    %reduce_sum3A_53 = vector.shape_cast %reduce_sum3A_52 : vector<1xf32> to vector<1x1xf32>
    %reduce_sum3A_54 = vector.extract %reduce_sum3A_53[0, 0] : f32 from vector<1x1xf32>
    %get3A_55 = arith.constant 8 : index
    %get3A_56 = arith.constant 0 : index
    %get3A_57 = vector.load %arg6[%get3A_55, %get3A_56] : memref<32x16xf32, #tpu.memory_space<vmem>>, vector<4x16xf32>
    %reduce_sum3A_58 = vector.shape_cast %get3A_57 : vector<4x16xf32> to vector<1x4x16xf32>
    %reduce_sum3A_59 = arith.constant dense<0.000000e+00> : vector<1xf32>
    %reduce_sum3A_60 = vector.multi_reduction <add>, %reduce_sum3A_58, %reduce_sum3A_59 [1, 2] : vector<1x4x16xf32> to vector<1xf32>
    %reduce_sum3A_61 = vector.shape_cast %reduce_sum3A_60 : vector<1xf32> to vector<1x1x1xf32>
    %reduce_sum3A_62 = vector.extract %reduce_sum3A_61[0, 0, 0] : f32 from vector<1x1x1xf32>
    %get3A_63 = arith.constant 2 : index
    %get3A_64 = memref.load %arg4[%get3A_63] : memref<8xf32, #tpu.memory_space<smem>>
    %add3A_65 = arith.addf %get3A_64, %reduce_sum3A_54 : f32
    %sub3A_66 = arith.subf %add3A_65, %reduce_sum3A_62 : f32
    %swap3A_67 = arith.constant 2 : index
    %swap3A_68 = memref.load %arg9[%swap3A_67] : memref<8xf32, #tpu.memory_space<smem>>
    memref.store %sub3A_66, %arg9[%swap3A_67] : memref<8xf32, #tpu.memory_space<smem>>
    %get3A_69 = arith.constant 3072 : index
    %get3A_70 = arith.constant 0 : index
    %get3A_71 = vector.load %arg5[%get3A_69, %get3A_70] : memref<8192x16xf32, #tpu.memory_space<vmem>>, vector<1024x16xf32>
    %reduce_sum3A_72 = arith.constant dense<0.000000e+00> : vector<1024xf32>
    %reduce_sum3A_73 = vector.multi_reduction <add>, %get3A_71, %reduce_sum3A_72 [1] : vector<1024x16xf32> to vector<1024xf32>
    %log3A_74 = math.log %reduce_sum3A_73 : vector<1024xf32>
    %reduce_sum3A_75 = vector.shape_cast %log3A_74 : vector<1024xf32> to vector<1x1024xf32>
    %reduce_sum3A_76 = arith.constant dense<0.000000e+00> : vector<1xf32>
    %reduce_sum3A_77 = vector.multi_reduction <add>, %reduce_sum3A_75, %reduce_sum3A_76 [1] : vector<1x1024xf32> to vector<1xf32>
    %reduce_sum3A_78 = vector.shape_cast %reduce_sum3A_77 : vector<1xf32> to vector<1x1xf32>
    %reduce_sum3A_79 = vector.extract %reduce_sum3A_78[0, 0] : f32 from vector<1x1xf32>
    %get3A_80 = arith.constant 12 : index
    %get3A_81 = arith.constant 0 : index
    %get3A_82 = vector.load %arg6[%get3A_80, %get3A_81] : memref<32x16xf32, #tpu.memory_space<vmem>>, vector<4x16xf32>
    %reduce_sum3A_83 = vector.shape_cast %get3A_82 : vector<4x16xf32> to vector<1x4x16xf32>
    %reduce_sum3A_84 = arith.constant dense<0.000000e+00> : vector<1xf32>
    %reduce_sum3A_85 = vector.multi_reduction <add>, %reduce_sum3A_83, %reduce_sum3A_84 [1, 2] : vector<1x4x16xf32> to vector<1xf32>
    %reduce_sum3A_86 = vector.shape_cast %reduce_sum3A_85 : vector<1xf32> to vector<1x1x1xf32>
    %reduce_sum3A_87 = vector.extract %reduce_sum3A_86[0, 0, 0] : f32 from vector<1x1x1xf32>
    %get3A_88 = arith.constant 3 : index
    %get3A_89 = memref.load %arg4[%get3A_88] : memref<8xf32, #tpu.memory_space<smem>>
    %add3A_90 = arith.addf %get3A_89, %reduce_sum3A_79 : f32
    %sub3A_91 = arith.subf %add3A_90, %reduce_sum3A_87 : f32
    %swap3A_92 = arith.constant 3 : index
    %swap3A_93 = memref.load %arg9[%swap3A_92] : memref<8xf32, #tpu.memory_space<smem>>
    memref.store %sub3A_91, %arg9[%swap3A_92] : memref<8xf32, #tpu.memory_space<smem>>
    %get3A_94 = arith.constant 4096 : index
    %get3A_95 = arith.constant 0 : index
    %get3A_96 = vector.load %arg5[%get3A_94, %get3A_95] : memref<8192x16xf32, #tpu.memory_space<vmem>>, vector<1024x16xf32>
    %reduce_sum3A_97 = arith.constant dense<0.000000e+00> : vector<1024xf32>
    %reduce_sum3A_98 = vector.multi_reduction <add>, %get3A_96, %reduce_sum3A_97 [1] : vector<1024x16xf32> to vector<1024xf32>
    %log3A_99 = math.log %reduce_sum3A_98 : vector<1024xf32>
    %reduce_sum3A_100 = vector.shape_cast %log3A_99 : vector<1024xf32> to vector<1x1024xf32>
    %reduce_sum3A_101 = arith.constant dense<0.000000e+00> : vector<1xf32>
    %reduce_sum3A_102 = vector.multi_reduction <add>, %reduce_sum3A_100, %reduce_sum3A_101 [1] : vector<1x1024xf32> to vector<1xf32>
    %reduce_sum3A_103 = vector.shape_cast %reduce_sum3A_102 : vector<1xf32> to vector<1x1xf32>
    %reduce_sum3A_104 = vector.extract %reduce_sum3A_103[0, 0] : f32 from vector<1x1xf32>
    %get3A_105 = arith.constant 16 : index
    %get3A_106 = arith.constant 0 : index
    %get3A_107 = vector.load %arg6[%get3A_105, %get3A_106] : memref<32x16xf32, #tpu.memory_space<vmem>>, vector<4x16xf32>
    %reduce_sum3A_108 = vector.shape_cast %get3A_107 : vector<4x16xf32> to vector<1x4x16xf32>
    %reduce_sum3A_109 = arith.constant dense<0.000000e+00> : vector<1xf32>
    %reduce_sum3A_110 = vector.multi_reduction <add>, %reduce_sum3A_108, %reduce_sum3A_109 [1, 2] : vector<1x4x16xf32> to vector<1xf32>
    %reduce_sum3A_111 = vector.shape_cast %reduce_sum3A_110 : vector<1xf32> to vector<1x1x1xf32>
    %reduce_sum3A_112 = vector.extract %reduce_sum3A_111[0, 0, 0] : f32 from vector<1x1x1xf32>
    %get3A_113 = arith.constant 4 : index
    %get3A_114 = memref.load %arg4[%get3A_113] : memref<8xf32, #tpu.memory_space<smem>>
    %add3A_115 = arith.addf %get3A_114, %reduce_sum3A_104 : f32
    %sub3A_116 = arith.subf %add3A_115, %reduce_sum3A_112 : f32
    %swap3A_117 = arith.constant 4 : index
    %swap3A_118 = memref.load %arg9[%swap3A_117] : memref<8xf32, #tpu.memory_space<smem>>
    memref.store %sub3A_116, %arg9[%swap3A_117] : memref<8xf32, #tpu.memory_space<smem>>
    %get3A_119 = arith.constant 5120 : index
    %get3A_120 = arith.constant 0 : index
    %get3A_121 = vector.load %arg5[%get3A_119, %get3A_120] : memref<8192x16xf32, #tpu.memory_space<vmem>>, vector<1024x16xf32>
    %reduce_sum3A_122 = arith.constant dense<0.000000e+00> : vector<1024xf32>
    %reduce_sum3A_123 = vector.multi_reduction <add>, %get3A_121, %reduce_sum3A_122 [1] : vector<1024x16xf32> to vector<1024xf32>
    %log3A_124 = math.log %reduce_sum3A_123 : vector<1024xf32>
    %reduce_sum3A_125 = vector.shape_cast %log3A_124 : vector<1024xf32> to vector<1x1024xf32>
    %reduce_sum3A_126 = arith.constant dense<0.000000e+00> : vector<1xf32>
    %reduce_sum3A_127 = vector.multi_reduction <add>, %reduce_sum3A_125, %reduce_sum3A_126 [1] : vector<1x1024xf32> to vector<1xf32>
    %reduce_sum3A_128 = vector.shape_cast %reduce_sum3A_127 : vector<1xf32> to vector<1x1xf32>
    %reduce_sum3A_129 = vector.extract %reduce_sum3A_128[0, 0] : f32 from vector<1x1xf32>
    %get3A_130 = arith.constant 20 : index
    %get3A_131 = arith.constant 0 : index
    %get3A_132 = vector.load %arg6[%get3A_130, %get3A_131] : memref<32x16xf32, #tpu.memory_space<vmem>>, vector<4x16xf32>
    %reduce_sum3A_133 = vector.shape_cast %get3A_132 : vector<4x16xf32> to vector<1x4x16xf32>
    %reduce_sum3A_134 = arith.constant dense<0.000000e+00> : vector<1xf32>
    %reduce_sum3A_135 = vector.multi_reduction <add>, %reduce_sum3A_133, %reduce_sum3A_134 [1, 2] : vector<1x4x16xf32> to vector<1xf32>
    %reduce_sum3A_136 = vector.shape_cast %reduce_sum3A_135 : vector<1xf32> to vector<1x1x1xf32>
    %reduce_sum3A_137 = vector.extract %reduce_sum3A_136[0, 0, 0] : f32 from vector<1x1x1xf32>
    %get3A_138 = arith.constant 5 : index
    %get3A_139 = memref.load %arg4[%get3A_138] : memref<8xf32, #tpu.memory_space<smem>>
    %add3A_140 = arith.addf %get3A_139, %reduce_sum3A_129 : f32
    %sub3A_141 = arith.subf %add3A_140, %reduce_sum3A_137 : f32
    %swap3A_142 = arith.constant 5 : index
    %swap3A_143 = memref.load %arg9[%swap3A_142] : memref<8xf32, #tpu.memory_space<smem>>
    memref.store %sub3A_141, %arg9[%swap3A_142] : memref<8xf32, #tpu.memory_space<smem>>
    %get3A_144 = arith.constant 6144 : index
    %get3A_145 = arith.constant 0 : index
    %get3A_146 = vector.load %arg5[%get3A_144, %get3A_145] : memref<8192x16xf32, #tpu.memory_space<vmem>>, vector<1024x16xf32>
    %reduce_sum3A_147 = arith.constant dense<0.000000e+00> : vector<1024xf32>
    %reduce_sum3A_148 = vector.multi_reduction <add>, %get3A_146, %reduce_sum3A_147 [1] : vector<1024x16xf32> to vector<1024xf32>
    %log3A_149 = math.log %reduce_sum3A_148 : vector<1024xf32>
    %reduce_sum3A_150 = vector.shape_cast %log3A_149 : vector<1024xf32> to vector<1x1024xf32>
    %reduce_sum3A_151 = arith.constant dense<0.000000e+00> : vector<1xf32>
    %reduce_sum3A_152 = vector.multi_reduction <add>, %reduce_sum3A_150, %reduce_sum3A_151 [1] : vector<1x1024xf32> to vector<1xf32>
    %reduce_sum3A_153 = vector.shape_cast %reduce_sum3A_152 : vector<1xf32> to vector<1x1xf32>
    %reduce_sum3A_154 = vector.extract %reduce_sum3A_153[0, 0] : f32 from vector<1x1xf32>
    %get3A_155 = arith.constant 24 : index
    %get3A_156 = arith.constant 0 : index
    %get3A_157 = vector.load %arg6[%get3A_155, %get3A_156] : memref<32x16xf32, #tpu.memory_space<vmem>>, vector<4x16xf32>
    %reduce_sum3A_158 = vector.shape_cast %get3A_157 : vector<4x16xf32> to vector<1x4x16xf32>
    %reduce_sum3A_159 = arith.constant dense<0.000000e+00> : vector<1xf32>
    %reduce_sum3A_160 = vector.multi_reduction <add>, %reduce_sum3A_158, %reduce_sum3A_159 [1, 2] : vector<1x4x16xf32> to vector<1xf32>
    %reduce_sum3A_161 = vector.shape_cast %reduce_sum3A_160 : vector<1xf32> to vector<1x1x1xf32>
    %reduce_sum3A_162 = vector.extract %reduce_sum3A_161[0, 0, 0] : f32 from vector<1x1x1xf32>
    %get3A_163 = arith.constant 6 : index
    %get3A_164 = memref.load %arg4[%get3A_163] : memref<8xf32, #tpu.memory_space<smem>>
    %add3A_165 = arith.addf %get3A_164, %reduce_sum3A_154 : f32
    %sub3A_166 = arith.subf %add3A_165, %reduce_sum3A_162 : f32
    %swap3A_167 = arith.constant 6 : index
    %swap3A_168 = memref.load %arg9[%swap3A_167] : memref<8xf32, #tpu.memory_space<smem>>
    memref.store %sub3A_166, %arg9[%swap3A_167] : memref<8xf32, #tpu.memory_space<smem>>
    %get3A_169 = arith.constant 7168 : index
    %get3A_170 = arith.constant 0 : index
    %get3A_171 = vector.load %arg5[%get3A_169, %get3A_170] : memref<8192x16xf32, #tpu.memory_space<vmem>>, vector<1024x16xf32>
    %reduce_sum3A_172 = arith.constant dense<0.000000e+00> : vector<1024xf32>
    %reduce_sum3A_173 = vector.multi_reduction <add>, %get3A_171, %reduce_sum3A_172 [1] : vector<1024x16xf32> to vector<1024xf32>
    %log3A_174 = math.log %reduce_sum3A_173 : vector<1024xf32>
    %reduce_sum3A_175 = vector.shape_cast %log3A_174 : vector<1024xf32> to vector<1x1024xf32>
    %reduce_sum3A_176 = arith.constant dense<0.000000e+00> : vector<1xf32>
    %reduce_sum3A_177 = vector.multi_reduction <add>, %reduce_sum3A_175, %reduce_sum3A_176 [1] : vector<1x1024xf32> to vector<1xf32>
    %reduce_sum3A_178 = vector.shape_cast %reduce_sum3A_177 : vector<1xf32> to vector<1x1xf32>
    %reduce_sum3A_179 = vector.extract %reduce_sum3A_178[0, 0] : f32 from vector<1x1xf32>
    %get3A_180 = arith.constant 28 : index
    %get3A_181 = arith.constant 0 : index
    %get3A_182 = vector.load %arg6[%get3A_180, %get3A_181] : memref<32x16xf32, #tpu.memory_space<vmem>>, vector<4x16xf32>
    %reduce_sum3A_183 = vector.shape_cast %get3A_182 : vector<4x16xf32> to vector<1x4x16xf32>
    %reduce_sum3A_184 = arith.constant dense<0.000000e+00> : vector<1xf32>
    %reduce_sum3A_185 = vector.multi_reduction <add>, %reduce_sum3A_183, %reduce_sum3A_184 [1, 2] : vector<1x4x16xf32> to vector<1xf32>
    %reduce_sum3A_186 = vector.shape_cast %reduce_sum3A_185 : vector<1xf32> to vector<1x1x1xf32>
    %reduce_sum3A_187 = vector.extract %reduce_sum3A_186[0, 0, 0] : f32 from vector<1x1x1xf32>
    %get3A_188 = arith.constant 7 : index
    %get3A_189 = memref.load %arg4[%get3A_188] : memref<8xf32, #tpu.memory_space<smem>>
    %add3A_190 = arith.addf %get3A_189, %reduce_sum3A_179 : f32
    %sub3A_191 = arith.subf %add3A_190, %reduce_sum3A_187 : f32
    %swap3A_192 = arith.constant 7 : index
    %swap3A_193 = memref.load %arg9[%swap3A_192] : memref<8xf32, #tpu.memory_space<smem>>
    memref.store %sub3A_191, %arg9[%swap3A_192] : memref<8xf32, #tpu.memory_space<smem>>
    %get3A_194 = arith.constant 0 : index
    %get3A_195 = memref.load %arg3[%get3A_194] : memref<2xf32, #tpu.memory_space<smem>>
    %get3A_196 = arith.constant 1 : index
    %get3A_197 = memref.load %arg3[%get3A_196] : memref<2xf32, #tpu.memory_space<smem>>
    %get3A_198 = arith.constant 0 : index
    %get3A_199 = memref.load %arg1[%get3A_198] : memref<10xf32, #tpu.memory_space<smem>>
    %swap3A_200 = arith.constant 0 : index
    %swap3A_201 = memref.load %arg8[%swap3A_200] : memref<10xf32, #tpu.memory_space<smem>>
    memref.store %get3A_199, %arg8[%swap3A_200] : memref<10xf32, #tpu.memory_space<smem>>
    %get3A_202 = arith.constant 1 : index
    %get3A_203 = memref.load %arg1[%get3A_202] : memref<10xf32, #tpu.memory_space<smem>>
    %swap3A_204 = arith.constant 1 : index
    %swap3A_205 = memref.load %arg8[%swap3A_204] : memref<10xf32, #tpu.memory_space<smem>>
    memref.store %get3A_203, %arg8[%swap3A_204] : memref<10xf32, #tpu.memory_space<smem>>
    %get3A_206 = arith.constant 2 : index
    %get3A_207 = memref.load %arg1[%get3A_206] : memref<10xf32, #tpu.memory_space<smem>>
    %swap3A_208 = arith.constant 2 : index
    %swap3A_209 = memref.load %arg8[%swap3A_208] : memref<10xf32, #tpu.memory_space<smem>>
    memref.store %get3A_207, %arg8[%swap3A_208] : memref<10xf32, #tpu.memory_space<smem>>
    %get3A_210 = arith.constant 3 : index
    %get3A_211 = memref.load %arg1[%get3A_210] : memref<10xf32, #tpu.memory_space<smem>>
    %swap3A_212 = arith.constant 3 : index
    %swap3A_213 = memref.load %arg8[%swap3A_212] : memref<10xf32, #tpu.memory_space<smem>>
    memref.store %get3A_211, %arg8[%swap3A_212] : memref<10xf32, #tpu.memory_space<smem>>
    %get3A_214 = arith.constant 4 : index
    %get3A_215 = memref.load %arg1[%get3A_214] : memref<10xf32, #tpu.memory_space<smem>>
    %swap3A_216 = arith.constant 4 : index
    %swap3A_217 = memref.load %arg8[%swap3A_216] : memref<10xf32, #tpu.memory_space<smem>>
    memref.store %get3A_215, %arg8[%swap3A_216] : memref<10xf32, #tpu.memory_space<smem>>
    %get3A_218 = arith.constant 5 : index
    %get3A_219 = memref.load %arg1[%get3A_218] : memref<10xf32, #tpu.memory_space<smem>>
    %swap3A_220 = arith.constant 5 : index
    %swap3A_221 = memref.load %arg8[%swap3A_220] : memref<10xf32, #tpu.memory_space<smem>>
    memref.store %get3A_219, %arg8[%swap3A_220] : memref<10xf32, #tpu.memory_space<smem>>
    %get3A_222 = arith.constant 6 : index
    %get3A_223 = memref.load %arg1[%get3A_222] : memref<10xf32, #tpu.memory_space<smem>>
    %swap3A_224 = arith.constant 6 : index
    %swap3A_225 = memref.load %arg8[%swap3A_224] : memref<10xf32, #tpu.memory_space<smem>>
    memref.store %get3A_223, %arg8[%swap3A_224] : memref<10xf32, #tpu.memory_space<smem>>
    %get3A_226 = arith.constant 7 : index
    %get3A_227 = memref.load %arg1[%get3A_226] : memref<10xf32, #tpu.memory_space<smem>>
    %swap3A_228 = arith.constant 7 : index
    %swap3A_229 = memref.load %arg8[%swap3A_228] : memref<10xf32, #tpu.memory_space<smem>>
    memref.store %get3A_227, %arg8[%swap3A_228] : memref<10xf32, #tpu.memory_space<smem>>
    %get3A_230 = arith.constant 8 : index
    %get3A_231 = memref.load %arg1[%get3A_230] : memref<10xf32, #tpu.memory_space<smem>>
    %swap3A_232 = arith.constant 8 : index
    %swap3A_233 = memref.load %arg8[%swap3A_232] : memref<10xf32, #tpu.memory_space<smem>>
    memref.store %get3A_231, %arg8[%swap3A_232] : memref<10xf32, #tpu.memory_space<smem>>
    %get3A_234 = arith.constant 9 : index
    %get3A_235 = memref.load %arg1[%get3A_234] : memref<10xf32, #tpu.memory_space<smem>>
    %swap3A_236 = arith.constant 9 : index
    %swap3A_237 = memref.load %arg8[%swap3A_236] : memref<10xf32, #tpu.memory_space<smem>>
    memref.store %get3A_235, %arg8[%swap3A_236] : memref<10xf32, #tpu.memory_space<smem>>
    %get3A_238 = arith.constant 0 : index
    %get3A_239 = memref.load %arg9[%get3A_238] : memref<8xf32, #tpu.memory_space<smem>>
    %mul3A = arith.constant 4.8828125E-4 : f32
    %mul3A_240 = arith.mulf %get3A_239, %mul3A : f32
    %get3A_241 = arith.constant 0 : index
    %get3A_242 = memref.load %arg0[%get3A_241] : memref<8xi32, #tpu.memory_space<smem>>
    %get3A_243 = arith.index_cast %get3A_242 : i32 to index
    %get3A_244 = memref.load %arg1[%get3A_243] : memref<10xf32, #tpu.memory_space<smem>>
    %sub3A_245 = arith.subf %mul3A_240, %get3A_195 : f32
    %sub3A_246 = arith.subf %sub3A_245, %get3A_244 : f32
    %mul3A_247 = arith.constant 2.000000e-01 : f32
    %mul3A_248 = arith.mulf %mul3A_247, %sub3A_246 : f32
    %add3A_249 = arith.addf %get3A_244, %mul3A_248 : f32
    %sub3A_250 = arith.subf %mul3A_240, %get3A_195 : f32
    %get3A_251 = arith.constant 0 : index
    %get3A_252 = memref.load %arg2[%get3A_251] : memref<8xf32, #tpu.memory_space<smem>>
    %sub3A_253 = arith.subf %get3A_252, %get3A_197 : f32
    %sub3A_254 = arith.subf %sub3A_250, %sub3A_253 : f32
    %mul3A_255 = arith.constant 1.000000e-01 : f32
    %mul3A_256 = arith.mulf %mul3A_255, %sub3A_254 : f32
    %add3A_257 = arith.addf %add3A_249, %mul3A_256 : f32
    %swap3A_258 = arith.index_cast %get3A_242 : i32 to index
    %swap3A_259 = memref.load %arg8[%swap3A_258] : memref<10xf32, #tpu.memory_space<smem>>
    memref.store %add3A_257, %arg8[%swap3A_258] : memref<10xf32, #tpu.memory_space<smem>>
    %get3A_260 = arith.constant 1 : index
    %get3A_261 = memref.load %arg9[%get3A_260] : memref<8xf32, #tpu.memory_space<smem>>
    %mul3A_262 = arith.constant 4.8828125E-4 : f32
    %mul3A_263 = arith.mulf %get3A_261, %mul3A_262 : f32
    %get3A_264 = arith.constant 1 : index
    %get3A_265 = memref.load %arg0[%get3A_264] : memref<8xi32, #tpu.memory_space<smem>>
    %get3A_266 = arith.index_cast %get3A_265 : i32 to index
    %get3A_267 = memref.load %arg1[%get3A_266] : memref<10xf32, #tpu.memory_space<smem>>
    %sub3A_268 = arith.subf %mul3A_263, %get3A_195 : f32
    %sub3A_269 = arith.subf %sub3A_268, %get3A_267 : f32
    %mul3A_270 = arith.constant 2.000000e-01 : f32
    %mul3A_271 = arith.mulf %mul3A_270, %sub3A_269 : f32
    %add3A_272 = arith.addf %get3A_267, %mul3A_271 : f32
    %sub3A_273 = arith.subf %mul3A_263, %get3A_195 : f32
    %get3A_274 = arith.constant 1 : index
    %get3A_275 = memref.load %arg2[%get3A_274] : memref<8xf32, #tpu.memory_space<smem>>
    %sub3A_276 = arith.subf %get3A_275, %get3A_197 : f32
    %sub3A_277 = arith.subf %sub3A_273, %sub3A_276 : f32
    %mul3A_278 = arith.constant 1.000000e-01 : f32
    %mul3A_279 = arith.mulf %mul3A_278, %sub3A_277 : f32
    %add3A_280 = arith.addf %add3A_272, %mul3A_279 : f32
    %swap3A_281 = arith.index_cast %get3A_265 : i32 to index
    %swap3A_282 = memref.load %arg8[%swap3A_281] : memref<10xf32, #tpu.memory_space<smem>>
    memref.store %add3A_280, %arg8[%swap3A_281] : memref<10xf32, #tpu.memory_space<smem>>
    %get3A_283 = arith.constant 2 : index
    %get3A_284 = memref.load %arg9[%get3A_283] : memref<8xf32, #tpu.memory_space<smem>>
    %mul3A_285 = arith.constant 4.8828125E-4 : f32
    %mul3A_286 = arith.mulf %get3A_284, %mul3A_285 : f32
    %get3A_287 = arith.constant 2 : index
    %get3A_288 = memref.load %arg0[%get3A_287] : memref<8xi32, #tpu.memory_space<smem>>
    %get3A_289 = arith.index_cast %get3A_288 : i32 to index
    %get3A_290 = memref.load %arg1[%get3A_289] : memref<10xf32, #tpu.memory_space<smem>>
    %sub3A_291 = arith.subf %mul3A_286, %get3A_195 : f32
    %sub3A_292 = arith.subf %sub3A_291, %get3A_290 : f32
    %mul3A_293 = arith.constant 2.000000e-01 : f32
    %mul3A_294 = arith.mulf %mul3A_293, %sub3A_292 : f32
    %add3A_295 = arith.addf %get3A_290, %mul3A_294 : f32
    %sub3A_296 = arith.subf %mul3A_286, %get3A_195 : f32
    %get3A_297 = arith.constant 2 : index
    %get3A_298 = memref.load %arg2[%get3A_297] : memref<8xf32, #tpu.memory_space<smem>>
    %sub3A_299 = arith.subf %get3A_298, %get3A_197 : f32
    %sub3A_300 = arith.subf %sub3A_296, %sub3A_299 : f32
    %mul3A_301 = arith.constant 1.000000e-01 : f32
    %mul3A_302 = arith.mulf %mul3A_301, %sub3A_300 : f32
    %add3A_303 = arith.addf %add3A_295, %mul3A_302 : f32
    %swap3A_304 = arith.index_cast %get3A_288 : i32 to index
    %swap3A_305 = memref.load %arg8[%swap3A_304] : memref<10xf32, #tpu.memory_space<smem>>
    memref.store %add3A_303, %arg8[%swap3A_304] : memref<10xf32, #tpu.memory_space<smem>>
    %get3A_306 = arith.constant 3 : index
    %get3A_307 = memref.load %arg9[%get3A_306] : memref<8xf32, #tpu.memory_space<smem>>
    %mul3A_308 = arith.constant 4.8828125E-4 : f32
    %mul3A_309 = arith.mulf %get3A_307, %mul3A_308 : f32
    %get3A_310 = arith.constant 3 : index
    %get3A_311 = memref.load %arg0[%get3A_310] : memref<8xi32, #tpu.memory_space<smem>>
    %get3A_312 = arith.index_cast %get3A_311 : i32 to index
    %get3A_313 = memref.load %arg1[%get3A_312] : memref<10xf32, #tpu.memory_space<smem>>
    %sub3A_314 = arith.subf %mul3A_309, %get3A_195 : f32
    %sub3A_315 = arith.subf %sub3A_314, %get3A_313 : f32
    %mul3A_316 = arith.constant 2.000000e-01 : f32
    %mul3A_317 = arith.mulf %mul3A_316, %sub3A_315 : f32
    %add3A_318 = arith.addf %get3A_313, %mul3A_317 : f32
    %sub3A_319 = arith.subf %mul3A_309, %get3A_195 : f32
    %get3A_320 = arith.constant 3 : index
    %get3A_321 = memref.load %arg2[%get3A_320] : memref<8xf32, #tpu.memory_space<smem>>
    %sub3A_322 = arith.subf %get3A_321, %get3A_197 : f32
    %sub3A_323 = arith.subf %sub3A_319, %sub3A_322 : f32
    %mul3A_324 = arith.constant 1.000000e-01 : f32
    %mul3A_325 = arith.mulf %mul3A_324, %sub3A_323 : f32
    %add3A_326 = arith.addf %add3A_318, %mul3A_325 : f32
    %swap3A_327 = arith.index_cast %get3A_311 : i32 to index
    %swap3A_328 = memref.load %arg8[%swap3A_327] : memref<10xf32, #tpu.memory_space<smem>>
    memref.store %add3A_326, %arg8[%swap3A_327] : memref<10xf32, #tpu.memory_space<smem>>
    %get3A_329 = arith.constant 4 : index
    %get3A_330 = memref.load %arg9[%get3A_329] : memref<8xf32, #tpu.memory_space<smem>>
    %mul3A_331 = arith.constant 4.8828125E-4 : f32
    %mul3A_332 = arith.mulf %get3A_330, %mul3A_331 : f32
    %get3A_333 = arith.constant 4 : index
    %get3A_334 = memref.load %arg0[%get3A_333] : memref<8xi32, #tpu.memory_space<smem>>
    %get3A_335 = arith.index_cast %get3A_334 : i32 to index
    %get3A_336 = memref.load %arg1[%get3A_335] : memref<10xf32, #tpu.memory_space<smem>>
    %sub3A_337 = arith.subf %mul3A_332, %get3A_195 : f32
    %sub3A_338 = arith.subf %sub3A_337, %get3A_336 : f32
    %mul3A_339 = arith.constant 2.000000e-01 : f32
    %mul3A_340 = arith.mulf %mul3A_339, %sub3A_338 : f32
    %add3A_341 = arith.addf %get3A_336, %mul3A_340 : f32
    %sub3A_342 = arith.subf %mul3A_332, %get3A_195 : f32
    %get3A_343 = arith.constant 4 : index
    %get3A_344 = memref.load %arg2[%get3A_343] : memref<8xf32, #tpu.memory_space<smem>>
    %sub3A_345 = arith.subf %get3A_344, %get3A_197 : f32
    %sub3A_346 = arith.subf %sub3A_342, %sub3A_345 : f32
    %mul3A_347 = arith.constant 1.000000e-01 : f32
    %mul3A_348 = arith.mulf %mul3A_347, %sub3A_346 : f32
    %add3A_349 = arith.addf %add3A_341, %mul3A_348 : f32
    %swap3A_350 = arith.index_cast %get3A_334 : i32 to index
    %swap3A_351 = memref.load %arg8[%swap3A_350] : memref<10xf32, #tpu.memory_space<smem>>
    memref.store %add3A_349, %arg8[%swap3A_350] : memref<10xf32, #tpu.memory_space<smem>>
    %get3A_352 = arith.constant 5 : index
    %get3A_353 = memref.load %arg9[%get3A_352] : memref<8xf32, #tpu.memory_space<smem>>
    %mul3A_354 = arith.constant 4.8828125E-4 : f32
    %mul3A_355 = arith.mulf %get3A_353, %mul3A_354 : f32
    %get3A_356 = arith.constant 5 : index
    %get3A_357 = memref.load %arg0[%get3A_356] : memref<8xi32, #tpu.memory_space<smem>>
    %get3A_358 = arith.index_cast %get3A_357 : i32 to index
    %get3A_359 = memref.load %arg1[%get3A_358] : memref<10xf32, #tpu.memory_space<smem>>
    %sub3A_360 = arith.subf %mul3A_355, %get3A_195 : f32
    %sub3A_361 = arith.subf %sub3A_360, %get3A_359 : f32
    %mul3A_362 = arith.constant 2.000000e-01 : f32
    %mul3A_363 = arith.mulf %mul3A_362, %sub3A_361 : f32
    %add3A_364 = arith.addf %get3A_359, %mul3A_363 : f32
    %sub3A_365 = arith.subf %mul3A_355, %get3A_195 : f32
    %get3A_366 = arith.constant 5 : index
    %get3A_367 = memref.load %arg2[%get3A_366] : memref<8xf32, #tpu.memory_space<smem>>
    %sub3A_368 = arith.subf %get3A_367, %get3A_197 : f32
    %sub3A_369 = arith.subf %sub3A_365, %sub3A_368 : f32
    %mul3A_370 = arith.constant 1.000000e-01 : f32
    %mul3A_371 = arith.mulf %mul3A_370, %sub3A_369 : f32
    %add3A_372 = arith.addf %add3A_364, %mul3A_371 : f32
    %swap3A_373 = arith.index_cast %get3A_357 : i32 to index
    %swap3A_374 = memref.load %arg8[%swap3A_373] : memref<10xf32, #tpu.memory_space<smem>>
    memref.store %add3A_372, %arg8[%swap3A_373] : memref<10xf32, #tpu.memory_space<smem>>
    %get3A_375 = arith.constant 6 : index
    %get3A_376 = memref.load %arg9[%get3A_375] : memref<8xf32, #tpu.memory_space<smem>>
    %mul3A_377 = arith.constant 4.8828125E-4 : f32
    %mul3A_378 = arith.mulf %get3A_376, %mul3A_377 : f32
    %get3A_379 = arith.constant 6 : index
    %get3A_380 = memref.load %arg0[%get3A_379] : memref<8xi32, #tpu.memory_space<smem>>
    %get3A_381 = arith.index_cast %get3A_380 : i32 to index
    %get3A_382 = memref.load %arg1[%get3A_381] : memref<10xf32, #tpu.memory_space<smem>>
    %sub3A_383 = arith.subf %mul3A_378, %get3A_195 : f32
    %sub3A_384 = arith.subf %sub3A_383, %get3A_382 : f32
    %mul3A_385 = arith.constant 2.000000e-01 : f32
    %mul3A_386 = arith.mulf %mul3A_385, %sub3A_384 : f32
    %add3A_387 = arith.addf %get3A_382, %mul3A_386 : f32
    %sub3A_388 = arith.subf %mul3A_378, %get3A_195 : f32
    %get3A_389 = arith.constant 6 : index
    %get3A_390 = memref.load %arg2[%get3A_389] : memref<8xf32, #tpu.memory_space<smem>>
    %sub3A_391 = arith.subf %get3A_390, %get3A_197 : f32
    %sub3A_392 = arith.subf %sub3A_388, %sub3A_391 : f32
    %mul3A_393 = arith.constant 1.000000e-01 : f32
    %mul3A_394 = arith.mulf %mul3A_393, %sub3A_392 : f32
    %add3A_395 = arith.addf %add3A_387, %mul3A_394 : f32
    %swap3A_396 = arith.index_cast %get3A_380 : i32 to index
    %swap3A_397 = memref.load %arg8[%swap3A_396] : memref<10xf32, #tpu.memory_space<smem>>
    memref.store %add3A_395, %arg8[%swap3A_396] : memref<10xf32, #tpu.memory_space<smem>>
    %get3A_398 = arith.constant 7 : index
    %get3A_399 = memref.load %arg9[%get3A_398] : memref<8xf32, #tpu.memory_space<smem>>
    %mul3A_400 = arith.constant 4.8828125E-4 : f32
    %mul3A_401 = arith.mulf %get3A_399, %mul3A_400 : f32
    %get3A_402 = arith.constant 7 : index
    %get3A_403 = memref.load %arg0[%get3A_402] : memref<8xi32, #tpu.memory_space<smem>>
    %get3A_404 = arith.index_cast %get3A_403 : i32 to index
    %get3A_405 = memref.load %arg1[%get3A_404] : memref<10xf32, #tpu.memory_space<smem>>
    %sub3A_406 = arith.subf %mul3A_401, %get3A_195 : f32
    %sub3A_407 = arith.subf %sub3A_406, %get3A_405 : f32
    %mul3A_408 = arith.constant 2.000000e-01 : f32
    %mul3A_409 = arith.mulf %mul3A_408, %sub3A_407 : f32
    %add3A_410 = arith.addf %get3A_405, %mul3A_409 : f32
    %sub3A_411 = arith.subf %mul3A_401, %get3A_195 : f32
    %get3A_412 = arith.constant 7 : index
    %get3A_413 = memref.load %arg2[%get3A_412] : memref<8xf32, #tpu.memory_space<smem>>
    %sub3A_414 = arith.subf %get3A_413, %get3A_197 : f32
    %sub3A_415 = arith.subf %sub3A_411, %sub3A_414 : f32
    %mul3A_416 = arith.constant 1.000000e-01 : f32
    %mul3A_417 = arith.mulf %mul3A_416, %sub3A_415 : f32
    %add3A_418 = arith.addf %add3A_410, %mul3A_417 : f32
    %swap3A_419 = arith.index_cast %get3A_403 : i32 to index
    %swap3A_420 = memref.load %arg8[%swap3A_419] : memref<10xf32, #tpu.memory_space<smem>>
    memref.store %add3A_418, %arg8[%swap3A_419] : memref<10xf32, #tpu.memory_space<smem>>
    %get3A_421 = arith.constant 0 : index
    %get3A_422 = memref.load %arg0[%get3A_421] : memref<8xi32, #tpu.memory_space<smem>>
    %get3A_423 = arith.index_cast %get3A_422 : i32 to index
    %get3A_424 = memref.load %arg8[%get3A_423] : memref<10xf32, #tpu.memory_space<smem>>
    %div3A = arith.constant 1.000000e-01 : f32
    %div3A_425 = arith.divf %get3A_424, %div3A : f32
    %exp3A = math.exp %div3A_425 : f32
    %min3A = arith.constant 5.000000e+00 : f32
    %min3A_426 = arith.minimumf %exp3A, %min3A : f32
    %get3A_427 = arith.constant 0 : index
    %get3A_428 = memref.load %arg9[%get3A_427] : memref<8xf32, #tpu.memory_space<smem>>
    %mul3A_429 = arith.constant 4.8828125E-4 : f32
    %mul3A_430 = arith.mulf %get3A_428, %mul3A_429 : f32
    %mul3A_431 = arith.mulf %min3A_426, %mul3A_430 : f32
    %add3A_432 = arith.constant 0.000000e+00 : f32
    %add3A_433 = arith.addf %add3A_432, %mul3A_431 : f32
    %get3A_434 = arith.constant 1 : index
    %get3A_435 = memref.load %arg0[%get3A_434] : memref<8xi32, #tpu.memory_space<smem>>
    %get3A_436 = arith.index_cast %get3A_435 : i32 to index
    %get3A_437 = memref.load %arg8[%get3A_436] : memref<10xf32, #tpu.memory_space<smem>>
    %div3A_438 = arith.constant 1.000000e-01 : f32
    %div3A_439 = arith.divf %get3A_437, %div3A_438 : f32
    %exp3A_440 = math.exp %div3A_439 : f32
    %min3A_441 = arith.constant 5.000000e+00 : f32
    %min3A_442 = arith.minimumf %exp3A_440, %min3A_441 : f32
    %get3A_443 = arith.constant 1 : index
    %get3A_444 = memref.load %arg9[%get3A_443] : memref<8xf32, #tpu.memory_space<smem>>
    %mul3A_445 = arith.constant 4.8828125E-4 : f32
    %mul3A_446 = arith.mulf %get3A_444, %mul3A_445 : f32
    %mul3A_447 = arith.mulf %min3A_442, %mul3A_446 : f32
    %add3A_448 = arith.addf %add3A_433, %mul3A_447 : f32
    %get3A_449 = arith.constant 2 : index
    %get3A_450 = memref.load %arg0[%get3A_449] : memref<8xi32, #tpu.memory_space<smem>>
    %get3A_451 = arith.index_cast %get3A_450 : i32 to index
    %get3A_452 = memref.load %arg8[%get3A_451] : memref<10xf32, #tpu.memory_space<smem>>
    %div3A_453 = arith.constant 1.000000e-01 : f32
    %div3A_454 = arith.divf %get3A_452, %div3A_453 : f32
    %exp3A_455 = math.exp %div3A_454 : f32
    %min3A_456 = arith.constant 5.000000e+00 : f32
    %min3A_457 = arith.minimumf %exp3A_455, %min3A_456 : f32
    %get3A_458 = arith.constant 2 : index
    %get3A_459 = memref.load %arg9[%get3A_458] : memref<8xf32, #tpu.memory_space<smem>>
    %mul3A_460 = arith.constant 4.8828125E-4 : f32
    %mul3A_461 = arith.mulf %get3A_459, %mul3A_460 : f32
    %mul3A_462 = arith.mulf %min3A_457, %mul3A_461 : f32
    %add3A_463 = arith.addf %add3A_448, %mul3A_462 : f32
    %get3A_464 = arith.constant 3 : index
    %get3A_465 = memref.load %arg0[%get3A_464] : memref<8xi32, #tpu.memory_space<smem>>
    %get3A_466 = arith.index_cast %get3A_465 : i32 to index
    %get3A_467 = memref.load %arg8[%get3A_466] : memref<10xf32, #tpu.memory_space<smem>>
    %div3A_468 = arith.constant 1.000000e-01 : f32
    %div3A_469 = arith.divf %get3A_467, %div3A_468 : f32
    %exp3A_470 = math.exp %div3A_469 : f32
    %min3A_471 = arith.constant 5.000000e+00 : f32
    %min3A_472 = arith.minimumf %exp3A_470, %min3A_471 : f32
    %get3A_473 = arith.constant 3 : index
    %get3A_474 = memref.load %arg9[%get3A_473] : memref<8xf32, #tpu.memory_space<smem>>
    %mul3A_475 = arith.constant 4.8828125E-4 : f32
    %mul3A_476 = arith.mulf %get3A_474, %mul3A_475 : f32
    %mul3A_477 = arith.mulf %min3A_472, %mul3A_476 : f32
    %add3A_478 = arith.addf %add3A_463, %mul3A_477 : f32
    %get3A_479 = arith.constant 4 : index
    %get3A_480 = memref.load %arg0[%get3A_479] : memref<8xi32, #tpu.memory_space<smem>>
    %get3A_481 = arith.index_cast %get3A_480 : i32 to index
    %get3A_482 = memref.load %arg8[%get3A_481] : memref<10xf32, #tpu.memory_space<smem>>
    %div3A_483 = arith.constant 1.000000e-01 : f32
    %div3A_484 = arith.divf %get3A_482, %div3A_483 : f32
    %exp3A_485 = math.exp %div3A_484 : f32
    %min3A_486 = arith.constant 5.000000e+00 : f32
    %min3A_487 = arith.minimumf %exp3A_485, %min3A_486 : f32
    %get3A_488 = arith.constant 4 : index
    %get3A_489 = memref.load %arg9[%get3A_488] : memref<8xf32, #tpu.memory_space<smem>>
    %mul3A_490 = arith.constant 4.8828125E-4 : f32
    %mul3A_491 = arith.mulf %get3A_489, %mul3A_490 : f32
    %mul3A_492 = arith.mulf %min3A_487, %mul3A_491 : f32
    %add3A_493 = arith.addf %add3A_478, %mul3A_492 : f32
    %get3A_494 = arith.constant 5 : index
    %get3A_495 = memref.load %arg0[%get3A_494] : memref<8xi32, #tpu.memory_space<smem>>
    %get3A_496 = arith.index_cast %get3A_495 : i32 to index
    %get3A_497 = memref.load %arg8[%get3A_496] : memref<10xf32, #tpu.memory_space<smem>>
    %div3A_498 = arith.constant 1.000000e-01 : f32
    %div3A_499 = arith.divf %get3A_497, %div3A_498 : f32
    %exp3A_500 = math.exp %div3A_499 : f32
    %min3A_501 = arith.constant 5.000000e+00 : f32
    %min3A_502 = arith.minimumf %exp3A_500, %min3A_501 : f32
    %get3A_503 = arith.constant 5 : index
    %get3A_504 = memref.load %arg9[%get3A_503] : memref<8xf32, #tpu.memory_space<smem>>
    %mul3A_505 = arith.constant 4.8828125E-4 : f32
    %mul3A_506 = arith.mulf %get3A_504, %mul3A_505 : f32
    %mul3A_507 = arith.mulf %min3A_502, %mul3A_506 : f32
    %add3A_508 = arith.addf %add3A_493, %mul3A_507 : f32
    %get3A_509 = arith.constant 6 : index
    %get3A_510 = memref.load %arg0[%get3A_509] : memref<8xi32, #tpu.memory_space<smem>>
    %get3A_511 = arith.index_cast %get3A_510 : i32 to index
    %get3A_512 = memref.load %arg8[%get3A_511] : memref<10xf32, #tpu.memory_space<smem>>
    %div3A_513 = arith.constant 1.000000e-01 : f32
    %div3A_514 = arith.divf %get3A_512, %div3A_513 : f32
    %exp3A_515 = math.exp %div3A_514 : f32
    %min3A_516 = arith.constant 5.000000e+00 : f32
    %min3A_517 = arith.minimumf %exp3A_515, %min3A_516 : f32
    %get3A_518 = arith.constant 6 : index
    %get3A_519 = memref.load %arg9[%get3A_518] : memref<8xf32, #tpu.memory_space<smem>>
    %mul3A_520 = arith.constant 4.8828125E-4 : f32
    %mul3A_521 = arith.mulf %get3A_519, %mul3A_520 : f32
    %mul3A_522 = arith.mulf %min3A_517, %mul3A_521 : f32
    %add3A_523 = arith.addf %add3A_508, %mul3A_522 : f32
    %get3A_524 = arith.constant 7 : index
    %get3A_525 = memref.load %arg0[%get3A_524] : memref<8xi32, #tpu.memory_space<smem>>
    %get3A_526 = arith.index_cast %get3A_525 : i32 to index
    %get3A_527 = memref.load %arg8[%get3A_526] : memref<10xf32, #tpu.memory_space<smem>>
    %div3A_528 = arith.constant 1.000000e-01 : f32
    %div3A_529 = arith.divf %get3A_527, %div3A_528 : f32
    %exp3A_530 = math.exp %div3A_529 : f32
    %min3A_531 = arith.constant 5.000000e+00 : f32
    %min3A_532 = arith.minimumf %exp3A_530, %min3A_531 : f32
    %get3A_533 = arith.constant 7 : index
    %get3A_534 = memref.load %arg9[%get3A_533] : memref<8xf32, #tpu.memory_space<smem>>
    %mul3A_535 = arith.constant 4.8828125E-4 : f32
    %mul3A_536 = arith.mulf %get3A_534, %mul3A_535 : f32
    %mul3A_537 = arith.mulf %min3A_532, %mul3A_536 : f32
    %add3A_538 = arith.addf %add3A_523, %mul3A_537 : f32
    %div3A_539 = arith.constant 8.000000e+00 : f32
    %div3A_540 = arith.divf %add3A_538, %div3A_539 : f32
    %swap3A_541 = arith.constant 0 : index
    %swap3A_542 = memref.load %arg7[%swap3A_541] : memref<1xf32, #tpu.memory_space<smem>>
    memref.store %div3A_540, %arg7[%swap3A_541] : memref<1xf32, #tpu.memory_space<smem>>
    return
  }
}

</mosaic_0001>

<sc_bundles>
// kernel: _run.5.cloned.1.call-start
scs
__scs_entry_jumppad:
0x0: {  	(pc) =	sbr.rel $0x88, $3  }
0x1: {  	(tag) =	ssettag $0x0;
	lr =	simm.s32 $0x1  }
0x2: {  	[smem:$0x3F9A] =	sst lr;
	_ =	strace $0xD0000000  }
0x3: {  	_ = 	snop  }
0x4: {  	_ = 	snop  }
0x5: {  	_ = 	snop  }
0x6: {  	_ = 	snop  }
0x7: {  	_ = 	snop  }
__scs_overlays_trampoline_lowered:
0x8: {  	[smem:$0x3FA9] =	sst s0  }
0x9: {  	[smem:$0x3FAA] =	sst s1  }
0xa: {  	[smem:$0x3FAB] =	sst s2  }
0xb: {  	[smem:$0x3FAC] =	sst s3  }
0xc: {  	[smem:$0x3FAD] =	sst s4  }
0xd: {  	[smem:$0x3FAE] =	sst s5  }
0xe: {  	[smem:$0x3FAF] =	sst s6  }
0xf: {  	[smem:$0x3FB0] =	sst s7  }
0x10: {  	[smem:$0x3FB1] =	sst s8  }
0x11: {  	[smem:$0x3FB2] =	sst s9;
	s0 =	simm.s32 @!p0 $0x0  }
0x12: {  	s1 =	sld [smem:$0x3F98];
	s0 =	simm.s32 @p0 $0x1  }
0x13: {  	[smem:$0x3FB3] =	sst s0;
	s0 =	simm.s32 @!p1 $0x0  }
0x14: {  	s2 =	sld [smem:$0x3F97];
	s0 =	simm.s32 @p1 $0x1  }
0x15: {  	[smem:$0x3FB4] =	sst s0;
	s0 =	simm.s32 @!p2 $0x0  }
0x16: {  	s3 =	sld [smem:$0x3FDB];
	s0 =	simm.s32 @p2 $0x1  }
0x17: {  	s4 =	simm.s32 $0x1BF5;
	[smem:$0x3FB6] =	sst s0  }
0x18: {  	s0 =	sld [smem:$0x3F99];
	_ =	swait.ge [sflag:s4], $0x0  }
0x19: {  	s7 =	sld [smem:$0x3F9A]  }
0x1a: {  	s8 =	sadd.s32 $0xFFFFE003, lr  }
0x1b: {  	s9 =	sadd.s32 $0xFFFFFEF7, lr;
	s5 =	simm.s32 $0xFFFFFFFF;
	p2 =	slt.u32 s8, $0xFFFFF086  }
0x1c: {  	p1 =	slt.u32 s9, $0xF7A;
	s5 =	simm.s32 @!p2 $0x0  }
0x1d: {  	s5 =	simm.s32 @p1 $0x1;
	p0 =	seq.s32 s7, s2  }
0x1e: {  	s7 =	smul.u32 @!p0 $0xF7A, s2;
	p2 =	seq.s32 @!p0 s5, $0x0  }
0x1f: {  	s9 =	smul.u32 $0xF7A, s1;
	s8 =	simm.s32 @!p0 $0x1BF5;
	p2 =	por !p2, p0  }
0x20: {  	[sflag:s8] =	ssyncset.s32 @!p0 $0xFFFFF086;
	s6 =	sadd.s32 @!p0 s3, s7;
	s7 =	simm.s32 @!p0 $0x108  }
0x21: {  	s3 =	sadd.s32 s3, s9;
	s6 =	sadd.s32 @!p0 $0x88, s6;
	s7 =	simm.s32 @p2 $0x1082  }
0x22: {  	[simem:s7], [sflag:s8] =	dma.local @!p0 [hbm:s6], $0xF7A  }
0x23: {  	s9 =	sor.u32 $0xD0000000, s2;
	s6 =	simm.s32 $0x108;
	_ =	swait.ge @!p0 [sflag:s8], $0x0  }
0x24: {  	s3 =	sadd.s32 $0x88, s3;
	s6 =	simm.s32 @!p1 $0x1082;
	[sflag:s4] =	ssyncset.s32 $0xFFFFF086  }
0x25: {  	[simem:s6], [sflag:s4] =	dma.local [hbm:s3], $0xF7A  }
0x26: {  	[smem:$0x3F9A] =	sst s1;
	(tag) =	ssettag s2;
	_ =	strace s9  }
0x27: {  	s1 =	sld [smem:$0x3FAA]  }
0x28: {  	s2 =	sld [smem:$0x3FAB]  }
0x29: {  	s4 =	sld [smem:$0x3FAD]  }
0x2a: {  	p0 =	seq.s32 s5, $0x0;
	s5 =	sld [smem:$0x3FAE]  }
0x2b: {  	s6 =	sld [smem:$0x3FAF]  }
0x2c: {  	s7 =	sld [smem:$0x3FB0]  }
0x2d: {  	s3 =	simm.s32 $0x108;
	s8 =	sld [smem:$0x3FB1]  }
0x2e: {  	s3 =	simm.s32 @!p0 $0x1082;
	s9 =	sld [smem:$0x3FB2]  }
0x2f: {  	lr =	sadd.s32 s0, s3;
	s0 =	sld [smem:$0x3FA9]  }
0x30: {  	s3 =	sld [smem:$0x3FAC]  }
0x31: {  	[smem:$0x3FB5] =	sst s10  }
0x32: {  	s10 =	sld [smem:$0x3FB3];
	_ =	sdelay $0x3  }
0x33: {  	p0 =	seq.s32 s10, $0x1;
	s10 =	sld [smem:$0x3FB5];
	_ =	sdelay $0x3  }
0x34: {  	[smem:$0x3FB5] =	sst s10  }
0x35: {  	s10 =	sld [smem:$0x3FB4];
	_ =	sdelay $0x3  }
0x36: {  	p1 =	seq.s32 s10, $0x1;
	s10 =	sld [smem:$0x3FB5];
	_ =	sdelay $0x3  }
0x37: {  	[smem:$0x3FB5] =	sst s10  }
0x38: {  	s10 =	sld [smem:$0x3FB6]  }
0x39: {  	_ = 	snop;
	(pc) =	sbr.ind lr, $3  }
0x3a: {  	_ = 	snop  }
0x3b: {  	_ = 	snop  }
0x3c: {  	p2 =	seq.s32 s10, $0x1;
	s10 =	sld [smem:$0x3FB5]  }
0x3d: {  	_ =	shalt  }
0x3e: {  	_ =	shalt  }
0x3f: {  	_ =	shalt  }
0x40: {  	_ =	shalt  }
0x41: {  	_ =	shalt  }
0x42: {  	_ =	shalt  }
0x43: {  	_ =	shalt  }
0x44: {  	_ =	shalt  }
0x45: {  	_ =	shalt  }
0x46: {  	_ =	shalt  }
0x47: {  	_ =	shalt  }
0x48: {  	_ =	shalt  }
0x49: {  	_ =	shalt  }
0x4a: {  	_ =	shalt  }
0x4b: {  	_ =	shalt  }
0x4c: {  	_ =	shalt  }
0x4d: {  	_ =	shalt  }
0x4e: {  	_ =	shalt  }
0x4f: {  	_ =	shalt  }
0x50: {  	_ =	shalt  }
0x51: {  	_ =	shalt  }
0x52: {  	_ =	shalt  }
0x53: {  	_ =	shalt  }
0x54: {  	_ =	shalt  }
0x55: {  	_ =	shalt  }
0x56: {  	_ =	shalt  }
0x57: {  	_ =	shalt  }
0x58: {  	_ =	shalt  }
0x59: {  	_ =	shalt  }
0x5a: {  	_ =	shalt  }
0x5b: {  	_ =	shalt  }
0x5c: {  	_ =	shalt  }
0x5d: {  	_ =	shalt  }
0x5e: {  	_ =	shalt  }
0x5f: {  	_ =	shalt  }
0x60: {  	_ =	shalt  }
0x61: {  	_ =	shalt  }
0x62: {  	_ =	shalt  }
0x63: {  	_ =	shalt  }
0x64: {  	_ =	shalt  }
0x65: {  	_ =	shalt  }
0x66: {  	_ =	shalt  }
0x67: {  	_ =	shalt  }
0x68: {  	_ =	shalt  }
0x69: {  	_ =	shalt  }
0x6a: {  	_ =	shalt  }
0x6b: {  	_ =	shalt  }
0x6c: {  	_ =	shalt  }
0x6d: {  	_ =	shalt  }
0x6e: {  	_ =	shalt  }
0x6f: {  	_ =	shalt  }
0x70: {  	_ =	shalt  }
0x71: {  	_ =	shalt  }
0x72: {  	_ =	shalt  }
0x73: {  	_ =	shalt  }
0x74: {  	_ =	shalt  }
0x75: {  	_ =	shalt  }
0x76: {  	_ =	shalt  }
0x77: {  	_ =	shalt  }
0x78: {  	_ =	shalt  }
0x79: {  	_ =	shalt  }
0x7a: {  	_ =	shalt  }
0x7b: {  	_ =	shalt  }
0x7c: {  	_ =	shalt  }
0x7d: {  	_ =	shalt  }
0x7e: {  	_ =	shalt  }
0x7f: {  	_ =	shalt  }
0x80: {  	_ =	shalt  }
0x81: {  	_ =	shalt  }
0x82: {  	_ =	shalt  }
0x83: {  	_ =	shalt  }
0x84: {  	_ =	shalt  }
0x85: {  	_ =	shalt  }
0x86: {  	_ =	shalt  }
0x87: {  	_ =	shalt  }
.Lfunc_end0:
.L_simem_size_0:
called_computation_lowered:
.L_overlay_start_0:
0x88: {  	s2 =	sld [smem:$0x3FD9]  }
0x89: {  	s3 =	sld [smem:$0x3FFE];
	_ =	sdelay $0x1  }
0x8a: {  	s1 =	srdreg.scid  }
0x8b: {  	s0 =	sand.u32 $0x1, s1  }
0x8c: {  	s17 =	sshll.u32 s0, $0xA;
	s2 =	sadd.s32 s3, s2  }
0x8d: {  	s2 =	sadd.s32 s2, s17  }
0x8e: {  	[smem:$0x3FC1] =	sst s2  }
0x8f: {  	_ = 	snop  }
0x90: {  	s2 =	sld [smem:$0x3FC7];
	(tm) =	ssettm $0x1  }
0x91: {  	s18 =	sld [smem:$0x3FFB];
	_ =	sdelay $0x3  }
0x92: {  	_ =	strace s18  }
0x93: {  	s3 =	sld [smem:$0x3FFC];
	_ =	sdelay $0x3  }
0x94: {  	_ =	strace s3  }
0x95: {  	s3 =	sld [smem:$0x3FFD];
	_ =	sdelay $0x3  }
0x96: {  	_ =	strace s3  }
0x97: {  	_ =	strace $0x8FFFFFFF  }
0x98: {  	s19 =	sld [smem:$0x3FDB];
	_ =	sdelay $0x1  }
0x99: {  	s4 =	simm.s32 $_scs_section_size  }
0x9a: {  	s5 =	simm.s32 $_size__tile_overlayer_lowered;
	s6 =	simm.s32 $_tile_overlayer_lowered  }
0x9b: {  	s22 =	simm.s32 $0x1BFF;
	s21 =	sshll.u32 s6, $0x1;
	s3 =	sadd.s32 s4, s19  }
0x9c: {  	s7 =	simm.s32 $0x0;
	s20 =	sshll.u32 s5, $0x1;
	s5 =	sadd.s32 s21, s3  }
0x9d: {  	[timem:s7], [sflag:s22] =	dma.local [hbm:s5], s20  }
0x9e: {  	_ =	swait.ge [sflag:s22], s20  }
0x9f: {  	s4 =	ssub.s32 $0x0, s20;
	[sflag:s22] =	ssyncset.done $0x0  }
0xa0: {  	[sflag:s22] =	ssyncadd.s32 s4;
	_ =	sdelay $0x1  }
0xa1: {  	s23 =	simm.s32 $0x1B8B  }
0xa2: {  	_ =	swait.ge [sflag:s23], $0x1  }
0xa3: {  	[sflag:s23] =	ssyncset.done $0x0  }
0xa4: {  	s25 =	simm.s32 $0x1B8E;
	s24 =	sld [smem:$0x3FFE];
	[sflag:s23] =	ssyncadd.s32 $0xFFFFFFFF  }
0xa5: {  	s26 =	simm.s32 $execute0_lowered;
	[smem:$0x3FD2] =	sst s25  }
0xa6: {  	s5 =	sshll.u32 s26, $0x1;
	_ =	strace $0x80000046;
	[dreg:$0x1] =	wrdreg $0xFFFFFFFF  }
0xa7: {  	s28 =	simm.s32 $_size_execute0_lowered;
	s3 =	sadd.s32 s3, s5;
	[dreg:$0x0] =	wrdreg $0x0  }
0xa8: {  	s5 =	sshll.u32 s28, $0x1;
	[dreg:$0x2] =	wrdreg s3  }
0xa9: {  	[dreg:$0x3] =	wrdreg s5  }
0xaa: {  	[dreg:$0x4] =	wrdreg $0xC0  }
0xab: {  	_ =	task [dreg:s7], $0x5FFFF  }
0xac: {  	[dreg:$0x1] =	wrdreg $0xFFFFFFFF  }
0xad: {  	[dreg:$0x0] =	wrdreg $0x60  }
0xae: {  	[dreg:$0x2] =	wrdreg s24  }
0xaf: {  	[dreg:$0x3] =	wrdreg s2  }
0xb0: {  	[dreg:$0x4] =	wrdreg $0x9  }
0xb1: {  	_ =	task.clear_ibuf [dreg:s7], $0x5FFFF;
	_ =	strace $0x90000046  }
0xb2: {  	s29 =	simm.s32 $0x9;
	_ =	strace $0x80000048  }
0xb3: {  	_ =	swait.ge [sflag:s29], $0x1  }
0xb4: {  	[sflag:s29] =	ssyncadd.s32 $0xFFFFFFFF  }
0xb5: {  	_ =	strace $0x90000048  }
0xb6: {  	_ =	sfence  }
0xb7: {  	s30 =	sld [smem:$0x0];
	_ =	sdelay $0x2  }
0xb8: {  	s31 =	sshll.u32 s1, $0xD;
	s1 =	sshrl.u32 s1, $0x2  }
0xb9: {  	s3 =	sand.u32 $0x4000, s31;
	s1 =	sadd.s32 s1, s30  }
0xba: {  	s0 =	sor.u32 s3, s0;
	s1 =	sshll.u32 s1, $0x11  }
0xbb: {  	s0 =	sor.u32 s1, s0  }
0xbc: {  	s0 =	sadd.s32 $0x8F2B, s0  }
0xbd: {  	[sflag:s0] =	ssyncadd.remote.s32 $0x1  }
0xbe: {  	_ =	sfence.sel $0xFFFF  }
0xbf: {  	[dreg:$0x0] =	wrdreg $0xFFFFFFFF;
	(pc) =	sbr.abs _section_cstart, $3  }
0xc0: {  	[dreg:$0x1] =	wrdreg $0xFFFFFFFF  }
0xc1: {  	_ =	task.clear_ibuf [dreg:s7], $0x2FFFF;
	_ =	strace $0x9FFFFFFF  }
0xc2: {  	(tm) =	ssettm $0x7FFFFFFF  }
0xc3: {  	_ =	shalt  }
tec
execute0_lowered:
.L_overlay_start_1:
0x0: {  	(tag) =	ssettag $0x1  }
0x1: {  	s6 =	rddreg [dreg:$0x0]  }
0x2: {  	s2 =	rddreg [dreg:$0x1]  }
0x3: {  	s0 =	rddreg [dreg:$0x2]  }
0x4: {  	s4 =	srdreg.scid;
	s1 =	stileid.u32;
	s3 =	simm.s32 $0x0  }
0x5: {  	s12 =	simm.s32 $0x7D30;
	s13 =	simm.s32 $0x7F30;
	s14 =	simm.s32 $0x0  }
0x6: {  	s7 =	sand.u32 $0x1, s4;
	s28 =	sshll.u32 s1, $0x1;
	[smem:$0x7FF] =	sst s3  }
0x7: {  	s4 =	sadd.s32 $0x201200, s6;
	s5 =	sadd.s32 $0x3F5400, s6;
	s30 =	sshrl.u32 s1, $0x1  }
0x8: {  	s8 =	sor.u32 s7, s28;
	_ =	strace $0x80000047;
	s29 =	ssub.s32 $0x2, s7  }
0x9: {  	s11 =	sshll.u32 s30, $0xB;
	s9 =	sshll.u32 s8, $0x1;
	s8 =	sshll.u32 s8, $0x8  }
0xa: {  	s31 =	sshll.u32 s30, $0xA;
	s10 =	sshrl.u32 s29, $0x1;
	s8 =	sand.u32 $0x300, s8  }
0xb: {  	s9 =	sadd.s32 s9, s6;
	s10 =	ssub.s32 s29, s10;
	s11 =	sor.u32 s11, s8  }
0xc: {  	s6 =	sor.u32 s31, s8;
	s8 =	sadd.s32 $0x3F5200, s9;
	s9 =	smax.u32 s10, $0x1  }
0xd: {  	vm0 =	vmmov $0xff;
	v0 =	vlaneseq.u32;
	s10 =	simm.s32 $0x1;
	s7 =	sor.u32 $0x400, s11;
	s11 =	simm.s32 $0x7D00  }
.LBB2_1:
0xe: {  	v1 =	vimm.f32 $0.0e+00;
	s15 =	simm.s32 $0x0  }
.LBB2_2:
0xf: {  	s16 =	sshll.u32 s15, $0x5  }
0x10: {  	s18 =	sadd.s32 s7, s16  }
0x11: {  	s17 =	smul.u32 $0x7D, s18;
	_ =	sdelay $0x1  }
0x12: {  	s19 =	sadd.s32 s4, s17;
	s17 =	simm.s32 $0x0  }
0x13: {  	[tilespmem:s17], [sflag:$0x1] =	stream.linear.gather [hbm4b:s19+s17], $0x7D00, $0x38;
	[tilespmem:$0x7F40] =	vst v63  }
0x14: {  	_ =	swait.ge [sflag:s10], $0x7D00  }
0x15: {  	s18 =	sshrl.u32 s18, $0x3;
	[sflag:s10] =	ssyncset.done $0x0  }
0x16: {  	s18 =	sadd.s32 s2, s18;
	[sflag:s10] =	ssyncadd.s32 $0xFFFF8300  }
0x17: {  	[tilespmem:s11], [sflag:$0x1] =	stream.linear.gather [hbm4b:s18+s17], $0x20, $0x38;
	[tilespmem:$0x7F40] =	vst v63  }
0x18: {  	_ =	swait.ge [sflag:s10], $0x20  }
0x19: {  	[sflag:s10] =	ssyncset.done $0x0  }
0x1a: {  	s18 =	simm.s32 $0x0;
	[sflag:s10] =	ssyncadd.s32 $0xFFFFFFE0  }
.LBB2_3:
0x1b: {  	v2 =	vmov s17;
	_ =	sdelay $0x3  }
0x1c: {  	s19 =	simm.s32 $0x0  }
0x1d: {  	v3 =	vld.idx.msk [tilespmem:v2+s19+$0x10 ss:$0x1], $0xffff  }
0x1e: {  	v4 =	vld.idx.msk [tilespmem:v2+s19+$0x0 ss:$0x1], $0xffff  }
0x1f: {  	s30 =	simm.s32 $0x20  }
0x20: {  	v5 =	vld.idx.msk [tilespmem:v2+s30+$0x10 ss:$0x1], $0xffff  }
0x21: {  	v6 =	vld.idx.msk [tilespmem:v2+s30+$0x0 ss:$0x1], $0xffff  }
0x22: {  	v3 =	vmul.f32 $1.442695020e+00, v3  }
0x23: {  	v4 =	vmul.f32 $1.442695020e+00, v4  }
0x24: {  	(erf) = vpow2.f32 v3  }
0x25: {  	v3 =	vmul.f32 $1.442695020e+00, v5;
	(erf) = vpow2.f32 v4  }
0x26: {  	v4 =	vmul.f32 $1.442695020e+00, v6  }
0x27: {  	(erf) = vpow2.f32 v3  }
0x28: {  	s21 =	simm.s32 $0x40;
	(erf) = vpow2.f32 v4  }
0x29: {  	s31 =	smul.u32 $0xFA0, s18;
	v5 =	vld.idx.msk [tilespmem:v2+s21+$0x10 ss:$0x1], $0xffff  }
0x2a: {  	v6 =	vld.idx.msk [tilespmem:v2+s21+$0x0 ss:$0x1], $0xffff  }
0x2b: {  	s20 =	simm.s32 $0x180;
	s19 =	sshra.s32 s31, $0x2;
	v3 =	vimm.f32 $0.0e+00;
	v4 =	vimm.f32 $0.0e+00  }
.LBB2_4:
0x2c: {  	p0 =	sne.s32 s20, $0xF00  }
.Ltmp0:
0x2d: {  	s21 =	sshra.s32 s20, $0x2;
	s20 =	sadd.s32 $0x80, s20;
	v7 =	vpop (erf);
	(pc) =	sbr.rel @p0 .LBB2_4-.Ltmp0, $4  }
0x2e: {  	v8 =	vmul.f32 $1.442695020e+00, v5;
	v5 =	vld.idx.msk [tilespmem:v2+s21+$0x10 ss:$0x1], $0xffff;
	v3 =	vadd.f32 v7, v3;
	v7 =	vpop (erf)  }
0x2f: {  	v9 =	vmul.f32 $1.442695020e+00, v6;
	v6 =	vld.idx.msk [tilespmem:v2+s21+$0x0 ss:$0x1], $0xffff;
	v4 =	vadd.f32 v7, v4  }
0x30: {  	(erf) = vpow2.f32 v8  }
0x31: {  	(erf) = vpow2.f32 v9  }
0x32: {  	v2 =	vld [tilespmem:s19+$0x3D8];
	_ =	sdelay $0x2  }
0x33: {  	v5 =	vmul.f32 $1.442695020e+00, v5  }
0x34: {  	v6 =	vmul.f32 $1.442695020e+00, v6  }
0x35: {  	(erf) = vpow2.f32 v5;
	v2 =	vmul.f32 $1.442695020e+00, v2  }
0x36: {  	(erf) = vpow2.f32 v6  }
0x37: {  	(erf) = vpow2.f32 v2;
	_ =	sdelay $0x2  }
0x38: {  	v2 =	vpop (erf)  }
0x39: {  	v58 =	vpop (erf)  }
0x3a: {  	v59 =	vpop (erf);
	v4 =	vadd.f32 v58, v4  }
0x3b: {  	v60 =	vpop (erf)  }
0x3c: {  	v2 =	vadd.f32 v2, v3;
	v3 =	vadd.f32 v60, v4;
	v61 =	vpop (erf)  }
0x3d: {  	v62 =	vpop (erf)  }
0x3e: {  	v2 =	vadd.f32 v59, v2;
	v3 =	vadd.f32 v62, v3;
	v63 =	vpop (erf)  }
0x3f: {  	v5 =	vsel vm0, $0x0, v63  }
0x40: {  	v2 =	vadd.f32 v61, v2;
	v3 =	vadd.f32 v5, v3;
	_ =	sdelay $0x1  }
0x41: {  	s20 =	sshll.u32 s18, $0x4;
	v2 =	vadd.f32 v3, v2  }
0x42: {  	s20 =	sand.u32 $0x3FFFFFF0, s20  }
0x43: {  	[tilespmem:s20+$0x7D30] =	vst v2  }
0x44: {  	v2 =	vld [tilespmem:s18+$0x7D00];
	_ =	sdelay $0x4  }
0x45: {  	(v2sf) =	vpush v2, $0x0;
	_ =	sdelay $0xe  }
0x46: {  	s29 =	spop (v2sf)  }
0x47: {  	p0 =	slt.s32 s29, $0x3D8;
	s21 =	smov.u32 s29  }
0x48: {  	s21 =	simm.s32 @!p0 $0x3D8  }
0x49: {  	s22 =	sand.u32 $0xFFFFFFF8, s21  }
0x4a: {  	s23 =	sand.u32 $0x7, s21;
	s30 =	sadd.s32 s22, s19  }
0x4b: {  	s19 =	sadd.s32 s23, s30  }
0x4c: {  	s18 =	sadd.s32 $0x1, s18;
	v2 =	vld [tilespmem:s19+$0x0]  }
0x4d: {  	p0 =	sne.s32 s18, $0x20  }
.Ltmp1:
0x4e: {  	s31 =	ssub.s32 s29, s21;
	(pc) =	sbr.rel @p0 .LBB2_3-.Ltmp1, $4  }
0x4f: {  	v3 =	vmov s31  }
0x50: {  	vm1 =	veq.s32 v3, v0  }
0x51: {  	v2 =	vnsel vm1, $0x0, v2  }
0x52: {  	s17 =	sadd.s32 $0x3E8, s17;
	v1 =	vadd.f32 v2, v1  }
0x53: {  	s16 =	sadd.s32 s6, s16;
	s15 =	sadd.s32 $0x1, s15  }
0x54: {  	s16 =	sshll.u32 s16, $0x1;
	p0 =	sne.s32 s15, $0x8  }
.Ltmp2:
0x55: {  	s16 =	sadd.s32 s5, s16;
	(pc) =	sbr.rel @p0 .LBB2_2-.Ltmp2, $4  }
0x56: {  	[hbm4b:s16+s3] =	stream.linear.scatter [tilespmem:s12], [sflag:$0x1], $0x200, $0x38;
	[tilespmem:$0x7F40] =	vst v63  }
0x57: {  	_ =	swait.ge [sflag:s10], $0x200  }
0x58: {  	[sflag:s10] =	ssyncset.done $0x0  }
0x59: {  	[sflag:s10] =	ssyncadd.s32 $0xFFFFFE00  }
0x5a: {  	s14 =	sadd.s32 $0x1, s14  }
0x5b: {  	p0 =	sne.s32 s14, s9  }
.Ltmp3:
0x5c: {  	[tilespmem:$0x7F30] =	vst v1;
	(pc) =	sbr.rel @p0 .LBB2_1-.Ltmp3, $4  }
0x5d: {  	[hbm4b:s8+s3] =	stream.linear.scatter [tilespmem:s13], [sflag:$0x1], $0x10, $0x38;
	[tilespmem:$0x7F40] =	vst v63  }
0x5e: {  	_ =	swait.ge [sflag:s10], $0x10  }
0x5f: {  	[sflag:s10] =	ssyncset.done $0x0  }
0x60: {  	[sflag:s10] =	ssyncadd.s32 $0xFFFFFFF0  }
0x61: {  	_ =	sfence.sel $0x180000  }
0x62: {  	[bflag:$0x0] =	sbarrier.arrive $0xFFFF  }
0x63: {  	p0 =	sne.s32 s1, $0x0;
	_ =	strace $0x90000047  }
0x64: {  	s0 =	sadd.s32 @!p0 $0x100000, s0;
	[bflag:$0x2] =	sbarrier.arrive $0xFFFF  }
0x65: {  	[sflag:s0] =	ssyncadd.tile.s32 @!p0 $0x1;
	_ =	shalt  }
.Lfunc_end2:
_tile_overlayer_lowered:
.L_overlay_start_2:
0x66: {  	(tag) =	ssettag $0x2  }
0x67: {  	s0 =	rddreg [dreg:$0x0];
	s2 =	stileid.u32  }
0x68: {  	s1 =	rddreg [dreg:$0x1];
	p0 =	sne.s32 s2, $0x0  }
0x69: {  	s3 =	rddreg [dreg:$0x2];
	[bflag:$0x3] =	sbarrier.arrive $0xFFFF;
	s2 =	simm.s32 @!p0 $0x1C01  }
0x6a: {  	[timem:s3], [sflag:s2] =	dma.local @!p0 [hbm:s0], s1  }
0x6b: {  	s0 =	simm.s32 @!p0 $0x1  }
0x6c: {  	_ =	swait.ge @!p0 [sflag:s0], s1  }
0x6d: {  	s1 =	ssub.s32 @!p0 $0x0, s1;
	[sflag:s0] =	ssyncset.done @!p0 $0x0  }
0x6e: {  	[sflag:s0] =	ssyncadd.s32 @!p0 s1  }
0x6f: {  	[bflag:$0x3] =	sbarrier.arrive $0xFFFF  }
0x70: {  	_ =	shalt  }

</sc_bundles>
